<compile_context>
chip_gen: v7x
topology: tpu7x:2x2x1
jax: 0.10.2.dev20260603
libtpu: 0.0.44.dev20260713+nightly
codegen_flags: <defaults>
</compile_context>

<pallas_src>
import jax
import jax.numpy as jnp
from jax import lax
from jax.experimental import pallas as pl
from jax.experimental.pallas import tpu as pltpu
from jax.experimental.pallas import tpu_sc as plsc

_ROWS = 16384
_COLS = 1000
_NC = 2
_NS = 16
_NW = _NC * _NS
_RPW = _ROWS // _NW
_RPB = 16
_BPW = _RPW // _RPB
_NCH = _COLS // 16
_TAIL = _COLS - 16
_BIG = 1 << 30


def _sc_body(x_hbm, out_hbm, in0, in1, o0, o1, mt, ct, p0, p1,
             si0, si1, so0, so1):
    ins, outs, poss = (in0, in1), (o0, o1), (p0, p1)
    sis, sos = (si0, si1), (so0, so1)
    wid = lax.axis_index("s") * _NC + lax.axis_index("c")
    lane = lax.iota(jnp.int32, 16)
    row0 = wid * _RPW

    def in_copy(b, k):
        return pltpu.make_async_copy(
            x_hbm.at[pl.ds(row0 + b * _RPB, _RPB), :], ins[k], sis[k])

    def out_copy(b, k):
        return pltpu.make_async_copy(
            outs[k], out_hbm.at[pl.ds(row0 + b * _RPB, _RPB), :], sos[k])

    def zrow(r, carry):
        def zchunk(i, c2):
            o0[r, pl.ds(i * 16, 16)] = jnp.zeros((16,), jnp.float32)
            o1[r, pl.ds(i * 16, 16)] = jnp.zeros((16,), jnp.float32)
            return c2

        lax.fori_loop(0, _NCH, zchunk, 0)
        o0[r, pl.ds(_TAIL, 16)] = jnp.zeros((16,), jnp.float32)
        o1[r, pl.ds(_TAIL, 16)] = jnp.zeros((16,), jnp.float32)
        return carry

    lax.fori_loop(0, _RPB, zrow, 0)
    p0[...] = jnp.zeros((16,), jnp.int32)
    p1[...] = jnp.zeros((16,), jnp.int32)

    in_copy(0, 0).start()
    in_copy(1, 1).start()

    def group(g, carry):
        for k in range(2):
            b = g * 2 + k
            in_copy(b, k).wait()

            def row_body(r, carry2):
                def cbody(c, mi):
                    m, cb, soff = mi
                    v = ins[k][r, pl.ds(c * 16, 16)]
                    upd = v > m
                    m = jnp.maximum(m, v)
                    cb = jnp.where(upd, soff, cb)
                    return m, cb, soff + 16

                m0 = jnp.full((16,), -jnp.inf, jnp.float32)
                z = jnp.zeros((16,), jnp.int32)
                m, cb, _ = lax.fori_loop(
                    0, _NCH, cbody, (m0, z, z), unroll=8)
                v = ins[k][r, pl.ds(_TAIL, 16)]
                upd = v > m
                m = jnp.maximum(m, v)
                cb = jnp.where(upd, jnp.full((16,), _TAIL, jnp.int32), cb)
                tidx = lane * 17 + r
                plsc.store_scatter(mt, [tidx], m)
                plsc.store_scatter(ct, [tidx], cb)
                return carry2

            lax.fori_loop(0, _RPB, row_body, 0)

            gm = jnp.full((16,), -jnp.inf, jnp.float32)
            for l in range(16):
                gm = jnp.maximum(gm, plsc.load_gather(mt, [lane + 17 * l]))
            best = jnp.full((16,), _BIG, jnp.int32)
            for l in range(16):
                vl = plsc.load_gather(mt, [lane + 17 * l])
                cl = plsc.load_gather(ct, [lane + 17 * l])
                cand = jnp.where(vl == gm, cl + l, _BIG)
                best = jnp.minimum(best, cand)

            @pl.when(b + 2 < _BPW)
            def _():
                in_copy(b + 2, k).start()

            @pl.when(b >= 2)
            def _():
                out_copy(b - 2, k).wait()

            oldbest = poss[k][...]
            plsc.store_scatter(outs[k], [lane, oldbest],
                               jnp.zeros((16,), jnp.float32))
            plsc.store_scatter(outs[k], [lane, best],
                               jnp.ones((16,), jnp.float32))
            poss[k][...] = best
            out_copy(b, k).start()
        return carry

    lax.fori_loop(0, _BPW // 2, group, 0)
    out_copy(_BPW - 2, 0).wait()
    out_copy(_BPW - 1, 1).wait()


_sc_call = pl.kernel(
    _sc_body,
    out_type=jax.ShapeDtypeStruct((_ROWS, _COLS), jnp.float32),
    mesh=plsc.VectorSubcoreMesh(
        core_axis_name="c", subcore_axis_name="s",
        num_cores=_NC, num_subcores=_NS),
    scratch_types=[
        pltpu.VMEM((_RPB, _COLS), jnp.float32),
        pltpu.VMEM((_RPB, _COLS), jnp.float32),
        pltpu.VMEM((_RPB, _COLS), jnp.float32),
        pltpu.VMEM((_RPB, _COLS), jnp.float32),
        pltpu.VMEM((16 * 17,), jnp.float32),
        pltpu.VMEM((16 * 17,), jnp.int32),
        pltpu.VMEM((16,), jnp.int32),
        pltpu.VMEM((16,), jnp.int32),
        pltpu.SemaphoreType.DMA,
        pltpu.SemaphoreType.DMA,
        pltpu.SemaphoreType.DMA,
        pltpu.SemaphoreType.DMA,
    ],
    compiler_params=pltpu.CompilerParams(needs_layout_passes=False),
)


def kernel(x):
    return _sc_call(x)

# --- scband reference (transcript-rebuilt; emitter-appended) ---
"""Pipeline reference for scband-one-hot-encoder-40192303956254 (READ-ONLY COPY).

The authoritative reference and input builder live on the scoring server;
editing this copy changes nothing except your own understanding.
"""

import jax, jax.numpy as jnp
import numpy as np

N_DIMS = 1000

def setup_inputs(seed: int = 0) -> dict:
    key = jax.random.key(seed)
    x = jax.random.normal(key, (16384, 1000), dtype=jnp.float32)
    return {"x": x}

def reference(x):
    # indexes = x.argmax(dim=1)
    indexes = jnp.argmax(x, axis=1).astype(jnp.int32).reshape(-1, 1)
    n_rows = indexes.shape[0]
    # one_hots = x.new_zeros(n_rows, n_dims).scatter_(1, indexes, 1)
    one_hots = jnp.zeros((n_rows, N_DIMS), dtype=x.dtype)
    one_hots = one_hots.at[jnp.arange(n_rows), indexes[:, 0]].set(1.0)
    # one_hots.view(x.size(0), -1)
    one_hots = one_hots.reshape(x.shape[0], -1)
    return one_hots

if __name__ == "__main__":
    import jax
    _d = setup_inputs()
    print(jax.jit(kernel)(*tuple(_d.values())))

</pallas_src>

<mosaic_0001>
#map = affine_map<(d0, d1) -> (0, 0)>
module attributes {stable_mosaic.version = 14 : i64} {
  func.func @_sc_body(%arg0: i32, %arg1: i32, %arg2: memref<16384x1000xf32, #tpu.memory_space<hbm>>, %arg3: memref<16384x1000xf32, #tpu.memory_space<hbm>>, %arg4: memref<16x1000xf32, #tpu.memory_space<vmem>>, %arg5: memref<16x1000xf32, #tpu.memory_space<vmem>>, %arg6: memref<16x1000xf32, #tpu.memory_space<vmem>>, %arg7: memref<16x1000xf32, #tpu.memory_space<vmem>>, %arg8: memref<272xf32, #tpu.memory_space<vmem>>, %arg9: memref<272xi32, #tpu.memory_space<vmem>>, %arg10: memref<16xi32, #tpu.memory_space<vmem>>, %arg11: memref<16xi32, #tpu.memory_space<vmem>>, %arg12: memref<!tpu.dma_semaphore, #tpu.memory_space<semaphore_mem>>, %arg13: memref<!tpu.dma_semaphore, #tpu.memory_space<semaphore_mem>>, %arg14: memref<!tpu.dma_semaphore, #tpu.memory_space<semaphore_mem>>, %arg15: memref<!tpu.dma_semaphore, #tpu.memory_space<semaphore_mem>>) attributes {dimension_semantics = [#tpu.dimension_semantics<core_parallel>, #tpu.dimension_semantics<subcore_parallel>], iteration_bounds = array<i64: 2, 16>, scalar_prefetch = 0 : i64, scratch_operands = 12 : i64, tpu.core_type = #tpu.core_type<sc_vector_subcore>, window_params = [{transform_indices = #map}, {transform_indices = #map}]} {
    %mul3A = arith.constant 2 : i32
    %mul3A_0 = arith.muli %arg1, %mul3A : i32
    %add3A = arith.addi %mul3A_0, %arg0 : i32
    %iota3A = tpu.iota {dimensions = array<i32: 0>} : vector<16xi32>
    %mul3A_1 = arith.constant 512 : i32
    %mul3A_2 = arith.muli %add3A, %mul3A_1 : i32
    %scan3A = arith.constant 0 : i32
    %scan3A_3 = arith.constant 0 : i32
    %scan3A_4 = arith.constant 16 : i32
    %scan3A_5 = arith.addi %scan3A_3, %scan3A_4 : i32
    %scan3A_6 = arith.constant 1 : i32
    scf.for %scan3A_42 = %scan3A_3 to %scan3A_5 step %scan3A_6  : i32 {
      %scan3A_43 = arith.constant 0 : i32
      %scan3A_44 = arith.constant 0 : i32
      %scan3A_45 = arith.constant 62 : i32
      %scan3A_46 = arith.addi %scan3A_44, %scan3A_45 : i32
      %scan3A_47 = arith.constant 1 : i32
      scf.for %scan3A_59 = %scan3A_44 to %scan3A_46 step %scan3A_47  : i32 {
        %broadcast_in_dim3A_60 = arith.constant 0.000000e+00 : f32
        %broadcast_in_dim3A_61 = vector.broadcast %broadcast_in_dim3A_60 : f32 to vector<16xf32>
        %mul3A_62 = arith.constant 16 : i32
        %mul3A_63 = arith.muli %scan3A_59, %mul3A_62 : i32
        %swap3A_64 = arith.index_cast %scan3A_42 : i32 to index
        %swap3A_65 = arith.index_cast %mul3A_63 : i32 to index
        %swap3A_66 = tpu.vector_load %arg6[%swap3A_64, %swap3A_65] {strides = array<i32>} : memref<16x1000xf32, #tpu.memory_space<vmem>>, vector<16xf32>,
        tpu.vector_store %arg6[%swap3A_64, %swap3A_65], %broadcast_in_dim3A_61 {strides = array<i32>} : memref<16x1000xf32, #tpu.memory_space<vmem>>, vector<16xf32>,
        %broadcast_in_dim3A_67 = arith.constant 0.000000e+00 : f32
        %broadcast_in_dim3A_68 = vector.broadcast %broadcast_in_dim3A_67 : f32 to vector<16xf32>
        %mul3A_69 = arith.constant 16 : i32
        %mul3A_70 = arith.muli %scan3A_59, %mul3A_69 : i32
        %swap3A_71 = arith.index_cast %scan3A_42 : i32 to index
        %swap3A_72 = arith.index_cast %mul3A_70 : i32 to index
        %swap3A_73 = tpu.vector_load %arg7[%swap3A_71, %swap3A_72] {strides = array<i32>} : memref<16x1000xf32, #tpu.memory_space<vmem>>, vector<16xf32>,
        tpu.vector_store %arg7[%swap3A_71, %swap3A_72], %broadcast_in_dim3A_68 {strides = array<i32>} : memref<16x1000xf32, #tpu.memory_space<vmem>>, vector<16xf32>,
      }
      %scan3A_48 = arith.constant 62 : i32
      %broadcast_in_dim3A_49 = arith.constant 0.000000e+00 : f32
      %broadcast_in_dim3A_50 = vector.broadcast %broadcast_in_dim3A_49 : f32 to vector<16xf32>
      %swap3A_51 = arith.index_cast %scan3A_42 : i32 to index
      %swap3A_52 = arith.constant 984 : index
      %swap3A_53 = tpu.vector_load %arg6[%swap3A_51, %swap3A_52] {strides = array<i32>} : memref<16x1000xf32, #tpu.memory_space<vmem>>, vector<16xf32>,
      tpu.vector_store %arg6[%swap3A_51, %swap3A_52], %broadcast_in_dim3A_50 {strides = array<i32>} : memref<16x1000xf32, #tpu.memory_space<vmem>>, vector<16xf32>,
      %broadcast_in_dim3A_54 = arith.constant 0.000000e+00 : f32
      %broadcast_in_dim3A_55 = vector.broadcast %broadcast_in_dim3A_54 : f32 to vector<16xf32>
      %swap3A_56 = arith.index_cast %scan3A_42 : i32 to index
      %swap3A_57 = arith.constant 984 : index
      %swap3A_58 = tpu.vector_load %arg7[%swap3A_56, %swap3A_57] {strides = array<i32>} : memref<16x1000xf32, #tpu.memory_space<vmem>>, vector<16xf32>,
      tpu.vector_store %arg7[%swap3A_56, %swap3A_57], %broadcast_in_dim3A_55 {strides = array<i32>} : memref<16x1000xf32, #tpu.memory_space<vmem>>, vector<16xf32>,
    }
    %scan3A_7 = arith.constant 16 : i32
    %broadcast_in_dim3A = arith.constant 0 : i32
    %broadcast_in_dim3A_8 = vector.broadcast %broadcast_in_dim3A : i32 to vector<16xi32>
    %swap3A = arith.constant 0 : index
    %swap3A_9 = tpu.vector_load %arg10[%swap3A] {strides = array<i32>} : memref<16xi32, #tpu.memory_space<vmem>>, vector<16xi32>,
    tpu.vector_store %arg10[%swap3A], %broadcast_in_dim3A_8 {strides = array<i32>} : memref<16xi32, #tpu.memory_space<vmem>>, vector<16xi32>,
    %broadcast_in_dim3A_10 = arith.constant 0 : i32
    %broadcast_in_dim3A_11 = vector.broadcast %broadcast_in_dim3A_10 : i32 to vector<16xi32>
    %swap3A_12 = arith.constant 0 : index
    %swap3A_13 = tpu.vector_load %arg11[%swap3A_12] {strides = array<i32>} : memref<16xi32, #tpu.memory_space<vmem>>, vector<16xi32>,
    tpu.vector_store %arg11[%swap3A_12], %broadcast_in_dim3A_11 {strides = array<i32>} : memref<16xi32, #tpu.memory_space<vmem>>, vector<16xi32>,
    %add3A_14 = arith.constant 0 : i32
    %add3A_15 = arith.addi %mul3A_2, %add3A_14 : i32
    %dma_start3A = arith.constant 0 : i32
    %dma_start3A_16 = tpu.memref_slice %arg2[%add3A_15, %dma_start3A] : memref<16384x1000xf32, #tpu.memory_space<hbm>> -> memref<16x1000xf32, #tpu.memory_space<hbm>>
    %dma_start3A_17 = arith.constant 0 : i32
    %dma_start3A_18 = tpu.memref_slice %arg2[%add3A_15, %dma_start3A_17] : memref<16384x1000xf32, #tpu.memory_space<hbm>> -> memref<16x1000xf32, #tpu.memory_space<hbm>>
    tpu.enqueue_dma source(%dma_start3A_18 : memref<16x1000xf32, #tpu.memory_space<hbm>>) target(%arg4 : memref<16x1000xf32, #tpu.memory_space<vmem>>) target_semaphore(%arg12 : memref<!tpu.dma_semaphore, #tpu.memory_space<semaphore_mem>>)
    %add3A_19 = arith.constant 16 : i32
    %add3A_20 = arith.addi %mul3A_2, %add3A_19 : i32
    %dma_start3A_21 = arith.constant 0 : i32
    %dma_start3A_22 = tpu.memref_slice %arg2[%add3A_20, %dma_start3A_21] : memref<16384x1000xf32, #tpu.memory_space<hbm>> -> memref<16x1000xf32, #tpu.memory_space<hbm>>
    %dma_start3A_23 = arith.constant 0 : i32
    %dma_start3A_24 = tpu.memref_slice %arg2[%add3A_20, %dma_start3A_23] : memref<16384x1000xf32, #tpu.memory_space<hbm>> -> memref<16x1000xf32, #tpu.memory_space<hbm>>
    tpu.enqueue_dma source(%dma_start3A_24 : memref<16x1000xf32, #tpu.memory_space<hbm>>) target(%arg5 : memref<16x1000xf32, #tpu.memory_space<vmem>>) target_semaphore(%arg13 : memref<!tpu.dma_semaphore, #tpu.memory_space<semaphore_mem>>)
    %scan3A_25 = arith.constant 0 : i32
    %scan3A_26 = arith.constant 0 : i32
    %scan3A_27 = arith.constant 16 : i32
    %scan3A_28 = arith.addi %scan3A_26, %scan3A_27 : i32
    %scan3A_29 = arith.constant 1 : i32
    scf.for %scan3A_42 = %scan3A_26 to %scan3A_28 step %scan3A_29  : i32 {
      %mul3A_43 = arith.constant 2 : i32
      %mul3A_44 = arith.muli %scan3A_42, %mul3A_43 : i32
      %add3A_45 = arith.constant 0 : i32
      %add3A_46 = arith.addi %mul3A_44, %add3A_45 : i32
      %mul3A_47 = arith.constant 16 : i32
      %mul3A_48 = arith.muli %add3A_46, %mul3A_47 : i32
      %add3A_49 = arith.addi %mul3A_2, %mul3A_48 : i32
      %dma_wait3A_50 = arith.constant 0 : i32
      %dma_wait3A_51 = tpu.memref_slice %arg2[%add3A_49, %dma_wait3A_50] : memref<16384x1000xf32, #tpu.memory_space<hbm>> -> memref<16x1000xf32, #tpu.memory_space<hbm>>
      %dma_wait3A_52 = arith.constant 0 : i32
      %dma_wait3A_53 = tpu.memref_slice %arg2[%add3A_49, %dma_wait3A_52] : memref<16384x1000xf32, #tpu.memory_space<hbm>> -> memref<16x1000xf32, #tpu.memory_space<hbm>>
      tpu.wait_dma2 semaphore(%arg12 : memref<!tpu.dma_semaphore, #tpu.memory_space<semaphore_mem>>) src(%dma_wait3A_53 : memref<16x1000xf32, #tpu.memory_space<hbm>>) dst(%arg4 : memref<16x1000xf32, #tpu.memory_space<vmem>>)
      %scan3A_54 = arith.constant 0 : i32
      %scan3A_55 = arith.constant 0 : i32
      %scan3A_56 = arith.constant 16 : i32
      %scan3A_57 = arith.addi %scan3A_55, %scan3A_56 : i32
      %scan3A_58 = arith.constant 1 : i32
      scf.for %scan3A_800 = %scan3A_55 to %scan3A_57 step %scan3A_58  : i32 {
        %broadcast_in_dim3A_801 = arith.constant 0xFF800000 : f32
        %broadcast_in_dim3A_802 = vector.broadcast %broadcast_in_dim3A_801 : f32 to vector<16xf32>
        %broadcast_in_dim3A_803 = arith.constant 0 : i32
        %broadcast_in_dim3A_804 = vector.broadcast %broadcast_in_dim3A_803 : i32 to vector<16xi32>
        %scan3A_805 = arith.constant 0 : i32
        %scan3A_806 = arith.constant 56 : i32
        %scan3A_807 = arith.addi %scan3A_805, %scan3A_806 : i32
        %scan3A_808 = arith.constant 8 : i32
        %scan3A_809:3 = scf.for %scan3A_901 = %scan3A_805 to %scan3A_807 step %scan3A_808 iter_args(%scan3A_902 = %broadcast_in_dim3A_802, %scan3A_903 = %broadcast_in_dim3A_804, %scan3A_904 = %broadcast_in_dim3A_804) -> (vector<16xf32>, vector<16xi32>, vector<16xi32>)  : i32 {
          %mul3A_905 = arith.constant 16 : i32
          %mul3A_906 = arith.muli %scan3A_901, %mul3A_905 : i32
          %get3A_907 = arith.index_cast %scan3A_800 : i32 to index
          %get3A_908 = arith.index_cast %mul3A_906 : i32 to index
          %get3A_909 = tpu.vector_load %arg4[%get3A_907, %get3A_908] {strides = array<i32>} : memref<16x1000xf32, #tpu.memory_space<vmem>>, vector<16xf32>,
          %gt3A_910 = arith.cmpf ogt, %get3A_909, %scan3A_902 : vector<16xf32>
          %max3A_911 = arith.maximumf %scan3A_902, %get3A_909 : vector<16xf32>
          %select_n3A_912 = arith.select %gt3A_910, %scan3A_904, %scan3A_903 : vector<16xi1>, vector<16xi32>
          %add3A_913 = arith.constant 16 : i32
          %add3A_914 = vector.broadcast %add3A_913 : i32 to vector<16xi32>
          %add3A_915 = arith.addi %scan3A_904, %add3A_914 : vector<16xi32>
          %scan3A_916 = arith.constant 1 : i32
          %scan3A_917 = arith.addi %scan3A_901, %scan3A_916 : i32
          %mul3A_918 = arith.constant 16 : i32
          %mul3A_919 = arith.muli %scan3A_917, %mul3A_918 : i32
          %get3A_920 = arith.index_cast %scan3A_800 : i32 to index
          %get3A_921 = arith.index_cast %mul3A_919 : i32 to index
          %get3A_922 = tpu.vector_load %arg4[%get3A_920, %get3A_921] {strides = array<i32>} : memref<16x1000xf32, #tpu.memory_space<vmem>>, vector<16xf32>,
          %gt3A_923 = arith.cmpf ogt, %get3A_922, %max3A_911 : vector<16xf32>
          %max3A_924 = arith.maximumf %max3A_911, %get3A_922 : vector<16xf32>
          %select_n3A_925 = arith.select %gt3A_923, %add3A_915, %select_n3A_912 : vector<16xi1>, vector<16xi32>
          %add3A_926 = arith.constant 16 : i32
          %add3A_927 = vector.broadcast %add3A_926 : i32 to vector<16xi32>
          %add3A_928 = arith.addi %add3A_915, %add3A_927 : vector<16xi32>
          %scan3A_929 = arith.constant 2 : i32
          %scan3A_930 = arith.addi %scan3A_901, %scan3A_929 : i32
          %mul3A_931 = arith.constant 16 : i32
          %mul3A_932 = arith.muli %scan3A_930, %mul3A_931 : i32
          %get3A_933 = arith.index_cast %scan3A_800 : i32 to index
          %get3A_934 = arith.index_cast %mul3A_932 : i32 to index
          %get3A_935 = tpu.vector_load %arg4[%get3A_933, %get3A_934] {strides = array<i32>} : memref<16x1000xf32, #tpu.memory_space<vmem>>, vector<16xf32>,
          %gt3A_936 = arith.cmpf ogt, %get3A_935, %max3A_924 : vector<16xf32>
          %max3A_937 = arith.maximumf %max3A_924, %get3A_935 : vector<16xf32>
          %select_n3A_938 = arith.select %gt3A_936, %add3A_928, %select_n3A_925 : vector<16xi1>, vector<16xi32>
          %add3A_939 = arith.constant 16 : i32
          %add3A_940 = vector.broadcast %add3A_939 : i32 to vector<16xi32>
          %add3A_941 = arith.addi %add3A_928, %add3A_940 : vector<16xi32>
          %scan3A_942 = arith.constant 3 : i32
          %scan3A_943 = arith.addi %scan3A_901, %scan3A_942 : i32
          %mul3A_944 = arith.constant 16 : i32
          %mul3A_945 = arith.muli %scan3A_943, %mul3A_944 : i32
          %get3A_946 = arith.index_cast %scan3A_800 : i32 to index
          %get3A_947 = arith.index_cast %mul3A_945 : i32 to index
          %get3A_948 = tpu.vector_load %arg4[%get3A_946, %get3A_947] {strides = array<i32>} : memref<16x1000xf32, #tpu.memory_space<vmem>>, vector<16xf32>,
          %gt3A_949 = arith.cmpf ogt, %get3A_948, %max3A_937 : vector<16xf32>
          %max3A_950 = arith.maximumf %max3A_937, %get3A_948 : vector<16xf32>
          %select_n3A_951 = arith.select %gt3A_949, %add3A_941, %select_n3A_938 : vector<16xi1>, vector<16xi32>
          %add3A_952 = arith.constant 16 : i32
          %add3A_953 = vector.broadcast %add3A_952 : i32 to vector<16xi32>
          %add3A_954 = arith.addi %add3A_941, %add3A_953 : vector<16xi32>
          %scan3A_955 = arith.constant 4 : i32
          %scan3A_956 = arith.addi %scan3A_901, %scan3A_955 : i32
          %mul3A_957 = arith.constant 16 : i32
          %mul3A_958 = arith.muli %scan3A_956, %mul3A_957 : i32
          %get3A_959 = arith.index_cast %scan3A_800 : i32 to index
          %get3A_960 = arith.index_cast %mul3A_958 : i32 to index
          %get3A_961 = tpu.vector_load %arg4[%get3A_959, %get3A_960] {strides = array<i32>} : memref<16x1000xf32, #tpu.memory_space<vmem>>, vector<16xf32>,
          %gt3A_962 = arith.cmpf ogt, %get3A_961, %max3A_950 : vector<16xf32>
          %max3A_963 = arith.maximumf %max3A_950, %get3A_961 : vector<16xf32>
          %select_n3A_964 = arith.select %gt3A_962, %add3A_954, %select_n3A_951 : vector<16xi1>, vector<16xi32>
          %add3A_965 = arith.constant 16 : i32
          %add3A_966 = vector.broadcast %add3A_965 : i32 to vector<16xi32>
          %add3A_967 = arith.addi %add3A_954, %add3A_966 : vector<16xi32>
          %scan3A_968 = arith.constant 5 : i32
          %scan3A_969 = arith.addi %scan3A_901, %scan3A_968 : i32
          %mul3A_970 = arith.constant 16 : i32
          %mul3A_971 = arith.muli %scan3A_969, %mul3A_970 : i32
          %get3A_972 = arith.index_cast %scan3A_800 : i32 to index
          %get3A_973 = arith.index_cast %mul3A_971 : i32 to index
          %get3A_974 = tpu.vector_load %arg4[%get3A_972, %get3A_973] {strides = array<i32>} : memref<16x1000xf32, #tpu.memory_space<vmem>>, vector<16xf32>,
          %gt3A_975 = arith.cmpf ogt, %get3A_974, %max3A_963 : vector<16xf32>
          %max3A_976 = arith.maximumf %max3A_963, %get3A_974 : vector<16xf32>
          %select_n3A_977 = arith.select %gt3A_975, %add3A_967, %select_n3A_964 : vector<16xi1>, vector<16xi32>
          %add3A_978 = arith.constant 16 : i32
          %add3A_979 = vector.broadcast %add3A_978 : i32 to vector<16xi32>
          %add3A_980 = arith.addi %add3A_967, %add3A_979 : vector<16xi32>
          %scan3A_981 = arith.constant 6 : i32
          %scan3A_982 = arith.addi %scan3A_901, %scan3A_981 : i32
          %mul3A_983 = arith.constant 16 : i32
          %mul3A_984 = arith.muli %scan3A_982, %mul3A_983 : i32
          %get3A_985 = arith.index_cast %scan3A_800 : i32 to index
          %get3A_986 = arith.index_cast %mul3A_984 : i32 to index
          %get3A_987 = tpu.vector_load %arg4[%get3A_985, %get3A_986] {strides = array<i32>} : memref<16x1000xf32, #tpu.memory_space<vmem>>, vector<16xf32>,
          %gt3A_988 = arith.cmpf ogt, %get3A_987, %max3A_976 : vector<16xf32>
          %max3A_989 = arith.maximumf %max3A_976, %get3A_987 : vector<16xf32>
          %select_n3A_990 = arith.select %gt3A_988, %add3A_980, %select_n3A_977 : vector<16xi1>, vector<16xi32>
          %add3A_991 = arith.constant 16 : i32
          %add3A_992 = vector.broadcast %add3A_991 : i32 to vector<16xi32>
          %add3A_993 = arith.addi %add3A_980, %add3A_992 : vector<16xi32>
          %scan3A_994 = arith.constant 7 : i32
          %scan3A_995 = arith.addi %scan3A_901, %scan3A_994 : i32
          %mul3A_996 = arith.constant 16 : i32
          %mul3A_997 = arith.muli %scan3A_995, %mul3A_996 : i32
          %get3A_998 = arith.index_cast %scan3A_800 : i32 to index
          %get3A_999 = arith.index_cast %mul3A_997 : i32 to index
          %get3A_1000 = tpu.vector_load %arg4[%get3A_998, %get3A_999] {strides = array<i32>} : memref<16x1000xf32, #tpu.memory_space<vmem>>, vector<16xf32>,
          %gt3A_1001 = arith.cmpf ogt, %get3A_1000, %max3A_989 : vector<16xf32>
          %max3A_1002 = arith.maximumf %max3A_989, %get3A_1000 : vector<16xf32>
          %select_n3A_1003 = arith.select %gt3A_1001, %add3A_993, %select_n3A_990 : vector<16xi1>, vector<16xi32>
          %add3A_1004 = arith.constant 16 : i32
          %add3A_1005 = vector.broadcast %add3A_1004 : i32 to vector<16xi32>
          %add3A_1006 = arith.addi %add3A_993, %add3A_1005 : vector<16xi32>
          scf.yield %max3A_1002, %select_n3A_1003, %add3A_1006 : vector<16xf32>, vector<16xi32>, vector<16xi32>
        }
        %scan3A_810 = arith.constant 56 : i32
        %scan3A_811 = arith.addi %scan3A_805, %scan3A_810 : i32
        %mul3A_812 = arith.constant 16 : i32
        %mul3A_813 = arith.muli %scan3A_811, %mul3A_812 : i32
        %get3A_814 = arith.index_cast %scan3A_800 : i32 to index
        %get3A_815 = arith.index_cast %mul3A_813 : i32 to index
        %get3A_816 = tpu.vector_load %arg4[%get3A_814, %get3A_815] {strides = array<i32>} : memref<16x1000xf32, #tpu.memory_space<vmem>>, vector<16xf32>,
        %gt3A = arith.cmpf ogt, %get3A_816, %scan3A_809#0 : vector<16xf32>
        %max3A_817 = arith.maximumf %scan3A_809#0, %get3A_816 : vector<16xf32>
        %select_n3A_818 = arith.select %gt3A, %scan3A_809#2, %scan3A_809#1 : vector<16xi1>, vector<16xi32>
        %add3A_819 = arith.constant 16 : i32
        %add3A_820 = vector.broadcast %add3A_819 : i32 to vector<16xi32>
        %add3A_821 = arith.addi %scan3A_809#2, %add3A_820 : vector<16xi32>
        %scan3A_822 = arith.constant 57 : i32
        %scan3A_823 = arith.addi %scan3A_805, %scan3A_822 : i32
        %mul3A_824 = arith.constant 16 : i32
        %mul3A_825 = arith.muli %scan3A_823, %mul3A_824 : i32
        %get3A_826 = arith.index_cast %scan3A_800 : i32 to index
        %get3A_827 = arith.index_cast %mul3A_825 : i32 to index
        %get3A_828 = tpu.vector_load %arg4[%get3A_826, %get3A_827] {strides = array<i32>} : memref<16x1000xf32, #tpu.memory_space<vmem>>, vector<16xf32>,
        %gt3A_829 = arith.cmpf ogt, %get3A_828, %max3A_817 : vector<16xf32>
        %max3A_830 = arith.maximumf %max3A_817, %get3A_828 : vector<16xf32>
        %select_n3A_831 = arith.select %gt3A_829, %add3A_821, %select_n3A_818 : vector<16xi1>, vector<16xi32>
        %add3A_832 = arith.constant 16 : i32
        %add3A_833 = vector.broadcast %add3A_832 : i32 to vector<16xi32>
        %add3A_834 = arith.addi %add3A_821, %add3A_833 : vector<16xi32>
        %scan3A_835 = arith.constant 58 : i32
        %scan3A_836 = arith.addi %scan3A_805, %scan3A_835 : i32
        %mul3A_837 = arith.constant 16 : i32
        %mul3A_838 = arith.muli %scan3A_836, %mul3A_837 : i32
        %get3A_839 = arith.index_cast %scan3A_800 : i32 to index
        %get3A_840 = arith.index_cast %mul3A_838 : i32 to index
        %get3A_841 = tpu.vector_load %arg4[%get3A_839, %get3A_840] {strides = array<i32>} : memref<16x1000xf32, #tpu.memory_space<vmem>>, vector<16xf32>,
        %gt3A_842 = arith.cmpf ogt, %get3A_841, %max3A_830 : vector<16xf32>
        %max3A_843 = arith.maximumf %max3A_830, %get3A_841 : vector<16xf32>
        %select_n3A_844 = arith.select %gt3A_842, %add3A_834, %select_n3A_831 : vector<16xi1>, vector<16xi32>
        %add3A_845 = arith.constant 16 : i32
        %add3A_846 = vector.broadcast %add3A_845 : i32 to vector<16xi32>
        %add3A_847 = arith.addi %add3A_834, %add3A_846 : vector<16xi32>
        %scan3A_848 = arith.constant 59 : i32
        %scan3A_849 = arith.addi %scan3A_805, %scan3A_848 : i32
        %mul3A_850 = arith.constant 16 : i32
        %mul3A_851 = arith.muli %scan3A_849, %mul3A_850 : i32
        %get3A_852 = arith.index_cast %scan3A_800 : i32 to index
        %get3A_853 = arith.index_cast %mul3A_851 : i32 to index
        %get3A_854 = tpu.vector_load %arg4[%get3A_852, %get3A_853] {strides = array<i32>} : memref<16x1000xf32, #tpu.memory_space<vmem>>, vector<16xf32>,
        %gt3A_855 = arith.cmpf ogt, %get3A_854, %max3A_843 : vector<16xf32>
        %max3A_856 = arith.maximumf %max3A_843, %get3A_854 : vector<16xf32>
        %select_n3A_857 = arith.select %gt3A_855, %add3A_847, %select_n3A_844 : vector<16xi1>, vector<16xi32>
        %add3A_858 = arith.constant 16 : i32
        %add3A_859 = vector.broadcast %add3A_858 : i32 to vector<16xi32>
        %add3A_860 = arith.addi %add3A_847, %add3A_859 : vector<16xi32>
        %scan3A_861 = arith.constant 60 : i32
        %scan3A_862 = arith.addi %scan3A_805, %scan3A_861 : i32
        %mul3A_863 = arith.constant 16 : i32
        %mul3A_864 = arith.muli %scan3A_862, %mul3A_863 : i32
        %get3A_865 = arith.index_cast %scan3A_800 : i32 to index
        %get3A_866 = arith.index_cast %mul3A_864 : i32 to index
        %get3A_867 = tpu.vector_load %arg4[%get3A_865, %get3A_866] {strides = array<i32>} : memref<16x1000xf32, #tpu.memory_space<vmem>>, vector<16xf32>,
        %gt3A_868 = arith.cmpf ogt, %get3A_867, %max3A_856 : vector<16xf32>
        %max3A_869 = arith.maximumf %max3A_856, %get3A_867 : vector<16xf32>
        %select_n3A_870 = arith.select %gt3A_868, %add3A_860, %select_n3A_857 : vector<16xi1>, vector<16xi32>
        %add3A_871 = arith.constant 16 : i32
        %add3A_872 = vector.broadcast %add3A_871 : i32 to vector<16xi32>
        %add3A_873 = arith.addi %add3A_860, %add3A_872 : vector<16xi32>
        %scan3A_874 = arith.constant 61 : i32
        %scan3A_875 = arith.addi %scan3A_805, %scan3A_874 : i32
        %mul3A_876 = arith.constant 16 : i32
        %mul3A_877 = arith.muli %scan3A_875, %mul3A_876 : i32
        %get3A_878 = arith.index_cast %scan3A_800 : i32 to index
        %get3A_879 = arith.index_cast %mul3A_877 : i32 to index
        %get3A_880 = tpu.vector_load %arg4[%get3A_878, %get3A_879] {strides = array<i32>} : memref<16x1000xf32, #tpu.memory_space<vmem>>, vector<16xf32>,
        %gt3A_881 = arith.cmpf ogt, %get3A_880, %max3A_869 : vector<16xf32>
        %max3A_882 = arith.maximumf %max3A_869, %get3A_880 : vector<16xf32>
        %select_n3A_883 = arith.select %gt3A_881, %add3A_873, %select_n3A_870 : vector<16xi1>, vector<16xi32>
        %add3A_884 = arith.constant 16 : i32
        %add3A_885 = vector.broadcast %add3A_884 : i32 to vector<16xi32>
        %add3A_886 = arith.addi %add3A_873, %add3A_885 : vector<16xi32>
        %scan3A_887 = arith.constant 62 : i32
        %get3A_888 = arith.index_cast %scan3A_800 : i32 to index
        %get3A_889 = arith.constant 984 : index
        %get3A_890 = tpu.vector_load %arg4[%get3A_888, %get3A_889] {strides = array<i32>} : memref<16x1000xf32, #tpu.memory_space<vmem>>, vector<16xf32>,
        %gt3A_891 = arith.cmpf ogt, %get3A_890, %max3A_882 : vector<16xf32>
        %max3A_892 = arith.maximumf %max3A_882, %get3A_890 : vector<16xf32>
        %broadcast_in_dim3A_893 = arith.constant 984 : i32
        %broadcast_in_dim3A_894 = vector.broadcast %broadcast_in_dim3A_893 : i32 to vector<16xi32>
        %select_n3A_895 = arith.select %gt3A_891, %broadcast_in_dim3A_894, %select_n3A_883 : vector<16xi1>, vector<16xi32>
        %mul3A_896 = arith.constant 17 : i32
        %mul3A_897 = vector.broadcast %mul3A_896 : i32 to vector<16xi32>
        %mul3A_898 = arith.muli %iota3A, %mul3A_897 : vector<16xi32>
        %add3A_899 = vector.broadcast %scan3A_800 : i32 to vector<16xi32>
        %add3A_900 = arith.addi %mul3A_898, %add3A_899 : vector<16xi32>
        tpu.vector_store_idx %arg8[%add3A_900], %max3A_892 : memref<272xf32, #tpu.memory_space<vmem>>[vector<16xi32>], vector<16xf32>,
        tpu.vector_store_idx %arg9[%add3A_900], %select_n3A_895 : memref<272xi32, #tpu.memory_space<vmem>>[vector<16xi32>], vector<16xi32>,
      }
      %scan3A_59 = arith.constant 16 : i32
      %broadcast_in_dim3A_60 = arith.constant 0xFF800000 : f32
      %broadcast_in_dim3A_61 = vector.broadcast %broadcast_in_dim3A_60 : f32 to vector<16xf32>
      %add3A_62 = arith.constant 0 : i32
      %add3A_63 = vector.broadcast %add3A_62 : i32 to vector<16xi32>
      %add3A_64 = arith.addi %iota3A, %add3A_63 : vector<16xi32>
      %gather3A = tpu.vector_load_idx %arg8[%add3A_64] : memref<272xf32, #tpu.memory_space<vmem>>[vector<16xi32>], vector<16xf32>,
      %max3A = arith.maximumf %broadcast_in_dim3A_61, %gather3A : vector<16xf32>
      %add3A_65 = arith.constant 17 : i32
      %add3A_66 = vector.broadcast %add3A_65 : i32 to vector<16xi32>
      %add3A_67 = arith.addi %iota3A, %add3A_66 : vector<16xi32>
      %gather3A_68 = tpu.vector_load_idx %arg8[%add3A_67] : memref<272xf32, #tpu.memory_space<vmem>>[vector<16xi32>], vector<16xf32>,
      %max3A_69 = arith.maximumf %max3A, %gather3A_68 : vector<16xf32>
      %add3A_70 = arith.constant 34 : i32
      %add3A_71 = vector.broadcast %add3A_70 : i32 to vector<16xi32>
      %add3A_72 = arith.addi %iota3A, %add3A_71 : vector<16xi32>
      %gather3A_73 = tpu.vector_load_idx %arg8[%add3A_72] : memref<272xf32, #tpu.memory_space<vmem>>[vector<16xi32>], vector<16xf32>,
      %max3A_74 = arith.maximumf %max3A_69, %gather3A_73 : vector<16xf32>
      %add3A_75 = arith.constant 51 : i32
      %add3A_76 = vector.broadcast %add3A_75 : i32 to vector<16xi32>
      %add3A_77 = arith.addi %iota3A, %add3A_76 : vector<16xi32>
      %gather3A_78 = tpu.vector_load_idx %arg8[%add3A_77] : memref<272xf32, #tpu.memory_space<vmem>>[vector<16xi32>], vector<16xf32>,
      %max3A_79 = arith.maximumf %max3A_74, %gather3A_78 : vector<16xf32>
      %add3A_80 = arith.constant 68 : i32
      %add3A_81 = vector.broadcast %add3A_80 : i32 to vector<16xi32>
      %add3A_82 = arith.addi %iota3A, %add3A_81 : vector<16xi32>
      %gather3A_83 = tpu.vector_load_idx %arg8[%add3A_82] : memref<272xf32, #tpu.memory_space<vmem>>[vector<16xi32>], vector<16xf32>,
      %max3A_84 = arith.maximumf %max3A_79, %gather3A_83 : vector<16xf32>
      %add3A_85 = arith.constant 85 : i32
      %add3A_86 = vector.broadcast %add3A_85 : i32 to vector<16xi32>
      %add3A_87 = arith.addi %iota3A, %add3A_86 : vector<16xi32>
      %gather3A_88 = tpu.vector_load_idx %arg8[%add3A_87] : memref<272xf32, #tpu.memory_space<vmem>>[vector<16xi32>], vector<16xf32>,
      %max3A_89 = arith.maximumf %max3A_84, %gather3A_88 : vector<16xf32>
      %add3A_90 = arith.constant 102 : i32
      %add3A_91 = vector.broadcast %add3A_90 : i32 to vector<16xi32>
      %add3A_92 = arith.addi %iota3A, %add3A_91 : vector<16xi32>
      %gather3A_93 = tpu.vector_load_idx %arg8[%add3A_92] : memref<272xf32, #tpu.memory_space<vmem>>[vector<16xi32>], vector<16xf32>,
      %max3A_94 = arith.maximumf %max3A_89, %gather3A_93 : vector<16xf32>
      %add3A_95 = arith.constant 119 : i32
      %add3A_96 = vector.broadcast %add3A_95 : i32 to vector<16xi32>
      %add3A_97 = arith.addi %iota3A, %add3A_96 : vector<16xi32>
      %gather3A_98 = tpu.vector_load_idx %arg8[%add3A_97] : memref<272xf32, #tpu.memory_space<vmem>>[vector<16xi32>], vector<16xf32>,
      %max3A_99 = arith.maximumf %max3A_94, %gather3A_98 : vector<16xf32>
      %add3A_100 = arith.constant 136 : i32
      %add3A_101 = vector.broadcast %add3A_100 : i32 to vector<16xi32>
      %add3A_102 = arith.addi %iota3A, %add3A_101 : vector<16xi32>
      %gather3A_103 = tpu.vector_load_idx %arg8[%add3A_102] : memref<272xf32, #tpu.memory_space<vmem>>[vector<16xi32>], vector<16xf32>,
      %max3A_104 = arith.maximumf %max3A_99, %gather3A_103 : vector<16xf32>
      %add3A_105 = arith.constant 153 : i32
      %add3A_106 = vector.broadcast %add3A_105 : i32 to vector<16xi32>
      %add3A_107 = arith.addi %iota3A, %add3A_106 : vector<16xi32>
      %gather3A_108 = tpu.vector_load_idx %arg8[%add3A_107] : memref<272xf32, #tpu.memory_space<vmem>>[vector<16xi32>], vector<16xf32>,
      %max3A_109 = arith.maximumf %max3A_104, %gather3A_108 : vector<16xf32>
      %add3A_110 = arith.constant 170 : i32
      %add3A_111 = vector.broadcast %add3A_110 : i32 to vector<16xi32>
      %add3A_112 = arith.addi %iota3A, %add3A_111 : vector<16xi32>
      %gather3A_113 = tpu.vector_load_idx %arg8[%add3A_112] : memref<272xf32, #tpu.memory_space<vmem>>[vector<16xi32>], vector<16xf32>,
      %max3A_114 = arith.maximumf %max3A_109, %gather3A_113 : vector<16xf32>
      %add3A_115 = arith.constant 187 : i32
      %add3A_116 = vector.broadcast %add3A_115 : i32 to vector<16xi32>
      %add3A_117 = arith.addi %iota3A, %add3A_116 : vector<16xi32>
      %gather3A_118 = tpu.vector_load_idx %arg8[%add3A_117] : memref<272xf32, #tpu.memory_space<vmem>>[vector<16xi32>], vector<16xf32>,
      %max3A_119 = arith.maximumf %max3A_114, %gather3A_118 : vector<16xf32>
      %add3A_120 = arith.constant 204 : i32
      %add3A_121 = vector.broadcast %add3A_120 : i32 to vector<16xi32>
      %add3A_122 = arith.addi %iota3A, %add3A_121 : vector<16xi32>
      %gather3A_123 = tpu.vector_load_idx %arg8[%add3A_122] : memref<272xf32, #tpu.memory_space<vmem>>[vector<16xi32>], vector<16xf32>,
      %max3A_124 = arith.maximumf %max3A_119, %gather3A_123 : vector<16xf32>
      %add3A_125 = arith.constant 221 : i32
      %add3A_126 = vector.broadcast %add3A_125 : i32 to vector<16xi32>
      %add3A_127 = arith.addi %iota3A, %add3A_126 : vector<16xi32>
      %gather3A_128 = tpu.vector_load_idx %arg8[%add3A_127] : memref<272xf32, #tpu.memory_space<vmem>>[vector<16xi32>], vector<16xf32>,
      %max3A_129 = arith.maximumf %max3A_124, %gather3A_128 : vector<16xf32>
      %add3A_130 = arith.constant 238 : i32
      %add3A_131 = vector.broadcast %add3A_130 : i32 to vector<16xi32>
      %add3A_132 = arith.addi %iota3A, %add3A_131 : vector<16xi32>
      %gather3A_133 = tpu.vector_load_idx %arg8[%add3A_132] : memref<272xf32, #tpu.memory_space<vmem>>[vector<16xi32>], vector<16xf32>,
      %max3A_134 = arith.maximumf %max3A_129, %gather3A_133 : vector<16xf32>
      %add3A_135 = arith.constant 255 : i32
      %add3A_136 = vector.broadcast %add3A_135 : i32 to vector<16xi32>
      %add3A_137 = arith.addi %iota3A, %add3A_136 : vector<16xi32>
      %gather3A_138 = tpu.vector_load_idx %arg8[%add3A_137] : memref<272xf32, #tpu.memory_space<vmem>>[vector<16xi32>], vector<16xf32>,
      %max3A_139 = arith.maximumf %max3A_134, %gather3A_138 : vector<16xf32>
      %broadcast_in_dim3A_140 = arith.constant 1073741824 : i32
      %broadcast_in_dim3A_141 = vector.broadcast %broadcast_in_dim3A_140 : i32 to vector<16xi32>
      %add3A_142 = arith.constant 0 : i32
      %add3A_143 = vector.broadcast %add3A_142 : i32 to vector<16xi32>
      %add3A_144 = arith.addi %iota3A, %add3A_143 : vector<16xi32>
      %gather3A_145 = tpu.vector_load_idx %arg8[%add3A_144] : memref<272xf32, #tpu.memory_space<vmem>>[vector<16xi32>], vector<16xf32>,
      %add3A_146 = arith.constant 0 : i32
      %add3A_147 = vector.broadcast %add3A_146 : i32 to vector<16xi32>
      %add3A_148 = arith.addi %iota3A, %add3A_147 : vector<16xi32>
      %gather3A_149 = tpu.vector_load_idx %arg9[%add3A_148] : memref<272xi32, #tpu.memory_space<vmem>>[vector<16xi32>], vector<16xi32>,
      %eq3A = arith.cmpf oeq, %gather3A_145, %max3A_139 : vector<16xf32>
      %add3A_150 = arith.constant 0 : i32
      %add3A_151 = vector.broadcast %add3A_150 : i32 to vector<16xi32>
      %add3A_152 = arith.addi %gather3A_149, %add3A_151 : vector<16xi32>
      %jit3A = arith.constant 1073741824 : i32
      %broadcast_in_dim3A_153 = vector.broadcast %jit3A : i32 to vector<16xi32>
      %select_n3A = arith.select %eq3A, %add3A_152, %broadcast_in_dim3A_153 : vector<16xi1>, vector<16xi32>
      %min3A = arith.minsi %broadcast_in_dim3A_141, %select_n3A : vector<16xi32>
      %add3A_154 = arith.constant 17 : i32
      %add3A_155 = vector.broadcast %add3A_154 : i32 to vector<16xi32>
      %add3A_156 = arith.addi %iota3A, %add3A_155 : vector<16xi32>
      %gather3A_157 = tpu.vector_load_idx %arg8[%add3A_156] : memref<272xf32, #tpu.memory_space<vmem>>[vector<16xi32>], vector<16xf32>,
      %add3A_158 = arith.constant 17 : i32
      %add3A_159 = vector.broadcast %add3A_158 : i32 to vector<16xi32>
      %add3A_160 = arith.addi %iota3A, %add3A_159 : vector<16xi32>
      %gather3A_161 = tpu.vector_load_idx %arg9[%add3A_160] : memref<272xi32, #tpu.memory_space<vmem>>[vector<16xi32>], vector<16xi32>,
      %eq3A_162 = arith.cmpf oeq, %gather3A_157, %max3A_139 : vector<16xf32>
      %add3A_163 = arith.constant 1 : i32
      %add3A_164 = vector.broadcast %add3A_163 : i32 to vector<16xi32>
      %add3A_165 = arith.addi %gather3A_161, %add3A_164 : vector<16xi32>
      %jit3A_166 = arith.constant 1073741824 : i32
      %broadcast_in_dim3A_167 = vector.broadcast %jit3A_166 : i32 to vector<16xi32>
      %select_n3A_168 = arith.select %eq3A_162, %add3A_165, %broadcast_in_dim3A_167 : vector<16xi1>, vector<16xi32>
      %min3A_169 = arith.minsi %min3A, %select_n3A_168 : vector<16xi32>
      %add3A_170 = arith.constant 34 : i32
      %add3A_171 = vector.broadcast %add3A_170 : i32 to vector<16xi32>
      %add3A_172 = arith.addi %iota3A, %add3A_171 : vector<16xi32>
      %gather3A_173 = tpu.vector_load_idx %arg8[%add3A_172] : memref<272xf32, #tpu.memory_space<vmem>>[vector<16xi32>], vector<16xf32>,
      %add3A_174 = arith.constant 34 : i32
      %add3A_175 = vector.broadcast %add3A_174 : i32 to vector<16xi32>
      %add3A_176 = arith.addi %iota3A, %add3A_175 : vector<16xi32>
      %gather3A_177 = tpu.vector_load_idx %arg9[%add3A_176] : memref<272xi32, #tpu.memory_space<vmem>>[vector<16xi32>], vector<16xi32>,
      %eq3A_178 = arith.cmpf oeq, %gather3A_173, %max3A_139 : vector<16xf32>
      %add3A_179 = arith.constant 2 : i32
      %add3A_180 = vector.broadcast %add3A_179 : i32 to vector<16xi32>
      %add3A_181 = arith.addi %gather3A_177, %add3A_180 : vector<16xi32>
      %jit3A_182 = arith.constant 1073741824 : i32
      %broadcast_in_dim3A_183 = vector.broadcast %jit3A_182 : i32 to vector<16xi32>
      %select_n3A_184 = arith.select %eq3A_178, %add3A_181, %broadcast_in_dim3A_183 : vector<16xi1>, vector<16xi32>
      %min3A_185 = arith.minsi %min3A_169, %select_n3A_184 : vector<16xi32>
      %add3A_186 = arith.constant 51 : i32
      %add3A_187 = vector.broadcast %add3A_186 : i32 to vector<16xi32>
      %add3A_188 = arith.addi %iota3A, %add3A_187 : vector<16xi32>
      %gather3A_189 = tpu.vector_load_idx %arg8[%add3A_188] : memref<272xf32, #tpu.memory_space<vmem>>[vector<16xi32>], vector<16xf32>,
      %add3A_190 = arith.constant 51 : i32
      %add3A_191 = vector.broadcast %add3A_190 : i32 to vector<16xi32>
      %add3A_192 = arith.addi %iota3A, %add3A_191 : vector<16xi32>
      %gather3A_193 = tpu.vector_load_idx %arg9[%add3A_192] : memref<272xi32, #tpu.memory_space<vmem>>[vector<16xi32>], vector<16xi32>,
      %eq3A_194 = arith.cmpf oeq, %gather3A_189, %max3A_139 : vector<16xf32>
      %add3A_195 = arith.constant 3 : i32
      %add3A_196 = vector.broadcast %add3A_195 : i32 to vector<16xi32>
      %add3A_197 = arith.addi %gather3A_193, %add3A_196 : vector<16xi32>
      %jit3A_198 = arith.constant 1073741824 : i32
      %broadcast_in_dim3A_199 = vector.broadcast %jit3A_198 : i32 to vector<16xi32>
      %select_n3A_200 = arith.select %eq3A_194, %add3A_197, %broadcast_in_dim3A_199 : vector<16xi1>, vector<16xi32>
      %min3A_201 = arith.minsi %min3A_185, %select_n3A_200 : vector<16xi32>
      %add3A_202 = arith.constant 68 : i32
      %add3A_203 = vector.broadcast %add3A_202 : i32 to vector<16xi32>
      %add3A_204 = arith.addi %iota3A, %add3A_203 : vector<16xi32>
      %gather3A_205 = tpu.vector_load_idx %arg8[%add3A_204] : memref<272xf32, #tpu.memory_space<vmem>>[vector<16xi32>], vector<16xf32>,
      %add3A_206 = arith.constant 68 : i32
      %add3A_207 = vector.broadcast %add3A_206 : i32 to vector<16xi32>
      %add3A_208 = arith.addi %iota3A, %add3A_207 : vector<16xi32>
      %gather3A_209 = tpu.vector_load_idx %arg9[%add3A_208] : memref<272xi32, #tpu.memory_space<vmem>>[vector<16xi32>], vector<16xi32>,
      %eq3A_210 = arith.cmpf oeq, %gather3A_205, %max3A_139 : vector<16xf32>
      %add3A_211 = arith.constant 4 : i32
      %add3A_212 = vector.broadcast %add3A_211 : i32 to vector<16xi32>
      %add3A_213 = arith.addi %gather3A_209, %add3A_212 : vector<16xi32>
      %jit3A_214 = arith.constant 1073741824 : i32
      %broadcast_in_dim3A_215 = vector.broadcast %jit3A_214 : i32 to vector<16xi32>
      %select_n3A_216 = arith.select %eq3A_210, %add3A_213, %broadcast_in_dim3A_215 : vector<16xi1>, vector<16xi32>
      %min3A_217 = arith.minsi %min3A_201, %select_n3A_216 : vector<16xi32>
      %add3A_218 = arith.constant 85 : i32
      %add3A_219 = vector.broadcast %add3A_218 : i32 to vector<16xi32>
      %add3A_220 = arith.addi %iota3A, %add3A_219 : vector<16xi32>
      %gather3A_221 = tpu.vector_load_idx %arg8[%add3A_220] : memref<272xf32, #tpu.memory_space<vmem>>[vector<16xi32>], vector<16xf32>,
      %add3A_222 = arith.constant 85 : i32
      %add3A_223 = vector.broadcast %add3A_222 : i32 to vector<16xi32>
      %add3A_224 = arith.addi %iota3A, %add3A_223 : vector<16xi32>
      %gather3A_225 = tpu.vector_load_idx %arg9[%add3A_224] : memref<272xi32, #tpu.memory_space<vmem>>[vector<16xi32>], vector<16xi32>,
      %eq3A_226 = arith.cmpf oeq, %gather3A_221, %max3A_139 : vector<16xf32>
      %add3A_227 = arith.constant 5 : i32
      %add3A_228 = vector.broadcast %add3A_227 : i32 to vector<16xi32>
      %add3A_229 = arith.addi %gather3A_225, %add3A_228 : vector<16xi32>
      %jit3A_230 = arith.constant 1073741824 : i32
      %broadcast_in_dim3A_231 = vector.broadcast %jit3A_230 : i32 to vector<16xi32>
      %select_n3A_232 = arith.select %eq3A_226, %add3A_229, %broadcast_in_dim3A_231 : vector<16xi1>, vector<16xi32>
      %min3A_233 = arith.minsi %min3A_217, %select_n3A_232 : vector<16xi32>
      %add3A_234 = arith.constant 102 : i32
      %add3A_235 = vector.broadcast %add3A_234 : i32 to vector<16xi32>
      %add3A_236 = arith.addi %iota3A, %add3A_235 : vector<16xi32>
      %gather3A_237 = tpu.vector_load_idx %arg8[%add3A_236] : memref<272xf32, #tpu.memory_space<vmem>>[vector<16xi32>], vector<16xf32>,
      %add3A_238 = arith.constant 102 : i32
      %add3A_239 = vector.broadcast %add3A_238 : i32 to vector<16xi32>
      %add3A_240 = arith.addi %iota3A, %add3A_239 : vector<16xi32>
      %gather3A_241 = tpu.vector_load_idx %arg9[%add3A_240] : memref<272xi32, #tpu.memory_space<vmem>>[vector<16xi32>], vector<16xi32>,
      %eq3A_242 = arith.cmpf oeq, %gather3A_237, %max3A_139 : vector<16xf32>
      %add3A_243 = arith.constant 6 : i32
      %add3A_244 = vector.broadcast %add3A_243 : i32 to vector<16xi32>
      %add3A_245 = arith.addi %gather3A_241, %add3A_244 : vector<16xi32>
      %jit3A_246 = arith.constant 1073741824 : i32
      %broadcast_in_dim3A_247 = vector.broadcast %jit3A_246 : i32 to vector<16xi32>
      %select_n3A_248 = arith.select %eq3A_242, %add3A_245, %broadcast_in_dim3A_247 : vector<16xi1>, vector<16xi32>
      %min3A_249 = arith.minsi %min3A_233, %select_n3A_248 : vector<16xi32>
      %add3A_250 = arith.constant 119 : i32
      %add3A_251 = vector.broadcast %add3A_250 : i32 to vector<16xi32>
      %add3A_252 = arith.addi %iota3A, %add3A_251 : vector<16xi32>
      %gather3A_253 = tpu.vector_load_idx %arg8[%add3A_252] : memref<272xf32, #tpu.memory_space<vmem>>[vector<16xi32>], vector<16xf32>,
      %add3A_254 = arith.constant 119 : i32
      %add3A_255 = vector.broadcast %add3A_254 : i32 to vector<16xi32>
      %add3A_256 = arith.addi %iota3A, %add3A_255 : vector<16xi32>
      %gather3A_257 = tpu.vector_load_idx %arg9[%add3A_256] : memref<272xi32, #tpu.memory_space<vmem>>[vector<16xi32>], vector<16xi32>,
      %eq3A_258 = arith.cmpf oeq, %gather3A_253, %max3A_139 : vector<16xf32>
      %add3A_259 = arith.constant 7 : i32
      %add3A_260 = vector.broadcast %add3A_259 : i32 to vector<16xi32>
      %add3A_261 = arith.addi %gather3A_257, %add3A_260 : vector<16xi32>
      %jit3A_262 = arith.constant 1073741824 : i32
      %broadcast_in_dim3A_263 = vector.broadcast %jit3A_262 : i32 to vector<16xi32>
      %select_n3A_264 = arith.select %eq3A_258, %add3A_261, %broadcast_in_dim3A_263 : vector<16xi1>, vector<16xi32>
      %min3A_265 = arith.minsi %min3A_249, %select_n3A_264 : vector<16xi32>
      %add3A_266 = arith.constant 136 : i32
      %add3A_267 = vector.broadcast %add3A_266 : i32 to vector<16xi32>
      %add3A_268 = arith.addi %iota3A, %add3A_267 : vector<16xi32>
      %gather3A_269 = tpu.vector_load_idx %arg8[%add3A_268] : memref<272xf32, #tpu.memory_space<vmem>>[vector<16xi32>], vector<16xf32>,
      %add3A_270 = arith.constant 136 : i32
      %add3A_271 = vector.broadcast %add3A_270 : i32 to vector<16xi32>
      %add3A_272 = arith.addi %iota3A, %add3A_271 : vector<16xi32>
      %gather3A_273 = tpu.vector_load_idx %arg9[%add3A_272] : memref<272xi32, #tpu.memory_space<vmem>>[vector<16xi32>], vector<16xi32>,
      %eq3A_274 = arith.cmpf oeq, %gather3A_269, %max3A_139 : vector<16xf32>
      %add3A_275 = arith.constant 8 : i32
      %add3A_276 = vector.broadcast %add3A_275 : i32 to vector<16xi32>
      %add3A_277 = arith.addi %gather3A_273, %add3A_276 : vector<16xi32>
      %jit3A_278 = arith.constant 1073741824 : i32
      %broadcast_in_dim3A_279 = vector.broadcast %jit3A_278 : i32 to vector<16xi32>
      %select_n3A_280 = arith.select %eq3A_274, %add3A_277, %broadcast_in_dim3A_279 : vector<16xi1>, vector<16xi32>
      %min3A_281 = arith.minsi %min3A_265, %select_n3A_280 : vector<16xi32>
      %add3A_282 = arith.constant 153 : i32
      %add3A_283 = vector.broadcast %add3A_282 : i32 to vector<16xi32>
      %add3A_284 = arith.addi %iota3A, %add3A_283 : vector<16xi32>
      %gather3A_285 = tpu.vector_load_idx %arg8[%add3A_284] : memref<272xf32, #tpu.memory_space<vmem>>[vector<16xi32>], vector<16xf32>,
      %add3A_286 = arith.constant 153 : i32
      %add3A_287 = vector.broadcast %add3A_286 : i32 to vector<16xi32>
      %add3A_288 = arith.addi %iota3A, %add3A_287 : vector<16xi32>
      %gather3A_289 = tpu.vector_load_idx %arg9[%add3A_288] : memref<272xi32, #tpu.memory_space<vmem>>[vector<16xi32>], vector<16xi32>,
      %eq3A_290 = arith.cmpf oeq, %gather3A_285, %max3A_139 : vector<16xf32>
      %add3A_291 = arith.constant 9 : i32
      %add3A_292 = vector.broadcast %add3A_291 : i32 to vector<16xi32>
      %add3A_293 = arith.addi %gather3A_289, %add3A_292 : vector<16xi32>
      %jit3A_294 = arith.constant 1073741824 : i32
      %broadcast_in_dim3A_295 = vector.broadcast %jit3A_294 : i32 to vector<16xi32>
      %select_n3A_296 = arith.select %eq3A_290, %add3A_293, %broadcast_in_dim3A_295 : vector<16xi1>, vector<16xi32>
      %min3A_297 = arith.minsi %min3A_281, %select_n3A_296 : vector<16xi32>
      %add3A_298 = arith.constant 170 : i32
      %add3A_299 = vector.broadcast %add3A_298 : i32 to vector<16xi32>
      %add3A_300 = arith.addi %iota3A, %add3A_299 : vector<16xi32>
      %gather3A_301 = tpu.vector_load_idx %arg8[%add3A_300] : memref<272xf32, #tpu.memory_space<vmem>>[vector<16xi32>], vector<16xf32>,
      %add3A_302 = arith.constant 170 : i32
      %add3A_303 = vector.broadcast %add3A_302 : i32 to vector<16xi32>
      %add3A_304 = arith.addi %iota3A, %add3A_303 : vector<16xi32>
      %gather3A_305 = tpu.vector_load_idx %arg9[%add3A_304] : memref<272xi32, #tpu.memory_space<vmem>>[vector<16xi32>], vector<16xi32>,
      %eq3A_306 = arith.cmpf oeq, %gather3A_301, %max3A_139 : vector<16xf32>
      %add3A_307 = arith.constant 10 : i32
      %add3A_308 = vector.broadcast %add3A_307 : i32 to vector<16xi32>
      %add3A_309 = arith.addi %gather3A_305, %add3A_308 : vector<16xi32>
      %jit3A_310 = arith.constant 1073741824 : i32
      %broadcast_in_dim3A_311 = vector.broadcast %jit3A_310 : i32 to vector<16xi32>
      %select_n3A_312 = arith.select %eq3A_306, %add3A_309, %broadcast_in_dim3A_311 : vector<16xi1>, vector<16xi32>
      %min3A_313 = arith.minsi %min3A_297, %select_n3A_312 : vector<16xi32>
      %add3A_314 = arith.constant 187 : i32
      %add3A_315 = vector.broadcast %add3A_314 : i32 to vector<16xi32>
      %add3A_316 = arith.addi %iota3A, %add3A_315 : vector<16xi32>
      %gather3A_317 = tpu.vector_load_idx %arg8[%add3A_316] : memref<272xf32, #tpu.memory_space<vmem>>[vector<16xi32>], vector<16xf32>,
      %add3A_318 = arith.constant 187 : i32
      %add3A_319 = vector.broadcast %add3A_318 : i32 to vector<16xi32>
      %add3A_320 = arith.addi %iota3A, %add3A_319 : vector<16xi32>
      %gather3A_321 = tpu.vector_load_idx %arg9[%add3A_320] : memref<272xi32, #tpu.memory_space<vmem>>[vector<16xi32>], vector<16xi32>,
      %eq3A_322 = arith.cmpf oeq, %gather3A_317, %max3A_139 : vector<16xf32>
      %add3A_323 = arith.constant 11 : i32
      %add3A_324 = vector.broadcast %add3A_323 : i32 to vector<16xi32>
      %add3A_325 = arith.addi %gather3A_321, %add3A_324 : vector<16xi32>
      %jit3A_326 = arith.constant 1073741824 : i32
      %broadcast_in_dim3A_327 = vector.broadcast %jit3A_326 : i32 to vector<16xi32>
      %select_n3A_328 = arith.select %eq3A_322, %add3A_325, %broadcast_in_dim3A_327 : vector<16xi1>, vector<16xi32>
      %min3A_329 = arith.minsi %min3A_313, %select_n3A_328 : vector<16xi32>
      %add3A_330 = arith.constant 204 : i32
      %add3A_331 = vector.broadcast %add3A_330 : i32 to vector<16xi32>
      %add3A_332 = arith.addi %iota3A, %add3A_331 : vector<16xi32>
      %gather3A_333 = tpu.vector_load_idx %arg8[%add3A_332] : memref<272xf32, #tpu.memory_space<vmem>>[vector<16xi32>], vector<16xf32>,
      %add3A_334 = arith.constant 204 : i32
      %add3A_335 = vector.broadcast %add3A_334 : i32 to vector<16xi32>
      %add3A_336 = arith.addi %iota3A, %add3A_335 : vector<16xi32>
      %gather3A_337 = tpu.vector_load_idx %arg9[%add3A_336] : memref<272xi32, #tpu.memory_space<vmem>>[vector<16xi32>], vector<16xi32>,
      %eq3A_338 = arith.cmpf oeq, %gather3A_333, %max3A_139 : vector<16xf32>
      %add3A_339 = arith.constant 12 : i32
      %add3A_340 = vector.broadcast %add3A_339 : i32 to vector<16xi32>
      %add3A_341 = arith.addi %gather3A_337, %add3A_340 : vector<16xi32>
      %jit3A_342 = arith.constant 1073741824 : i32
      %broadcast_in_dim3A_343 = vector.broadcast %jit3A_342 : i32 to vector<16xi32>
      %select_n3A_344 = arith.select %eq3A_338, %add3A_341, %broadcast_in_dim3A_343 : vector<16xi1>, vector<16xi32>
      %min3A_345 = arith.minsi %min3A_329, %select_n3A_344 : vector<16xi32>
      %add3A_346 = arith.constant 221 : i32
      %add3A_347 = vector.broadcast %add3A_346 : i32 to vector<16xi32>
      %add3A_348 = arith.addi %iota3A, %add3A_347 : vector<16xi32>
      %gather3A_349 = tpu.vector_load_idx %arg8[%add3A_348] : memref<272xf32, #tpu.memory_space<vmem>>[vector<16xi32>], vector<16xf32>,
      %add3A_350 = arith.constant 221 : i32
      %add3A_351 = vector.broadcast %add3A_350 : i32 to vector<16xi32>
      %add3A_352 = arith.addi %iota3A, %add3A_351 : vector<16xi32>
      %gather3A_353 = tpu.vector_load_idx %arg9[%add3A_352] : memref<272xi32, #tpu.memory_space<vmem>>[vector<16xi32>], vector<16xi32>,
      %eq3A_354 = arith.cmpf oeq, %gather3A_349, %max3A_139 : vector<16xf32>
      %add3A_355 = arith.constant 13 : i32
      %add3A_356 = vector.broadcast %add3A_355 : i32 to vector<16xi32>
      %add3A_357 = arith.addi %gather3A_353, %add3A_356 : vector<16xi32>
      %jit3A_358 = arith.constant 1073741824 : i32
      %broadcast_in_dim3A_359 = vector.broadcast %jit3A_358 : i32 to vector<16xi32>
      %select_n3A_360 = arith.select %eq3A_354, %add3A_357, %broadcast_in_dim3A_359 : vector<16xi1>, vector<16xi32>
      %min3A_361 = arith.minsi %min3A_345, %select_n3A_360 : vector<16xi32>
      %add3A_362 = arith.constant 238 : i32
      %add3A_363 = vector.broadcast %add3A_362 : i32 to vector<16xi32>
      %add3A_364 = arith.addi %iota3A, %add3A_363 : vector<16xi32>
      %gather3A_365 = tpu.vector_load_idx %arg8[%add3A_364] : memref<272xf32, #tpu.memory_space<vmem>>[vector<16xi32>], vector<16xf32>,
      %add3A_366 = arith.constant 238 : i32
      %add3A_367 = vector.broadcast %add3A_366 : i32 to vector<16xi32>
      %add3A_368 = arith.addi %iota3A, %add3A_367 : vector<16xi32>
      %gather3A_369 = tpu.vector_load_idx %arg9[%add3A_368] : memref<272xi32, #tpu.memory_space<vmem>>[vector<16xi32>], vector<16xi32>,
      %eq3A_370 = arith.cmpf oeq, %gather3A_365, %max3A_139 : vector<16xf32>
      %add3A_371 = arith.constant 14 : i32
      %add3A_372 = vector.broadcast %add3A_371 : i32 to vector<16xi32>
      %add3A_373 = arith.addi %gather3A_369, %add3A_372 : vector<16xi32>
      %jit3A_374 = arith.constant 1073741824 : i32
      %broadcast_in_dim3A_375 = vector.broadcast %jit3A_374 : i32 to vector<16xi32>
      %select_n3A_376 = arith.select %eq3A_370, %add3A_373, %broadcast_in_dim3A_375 : vector<16xi1>, vector<16xi32>
      %min3A_377 = arith.minsi %min3A_361, %select_n3A_376 : vector<16xi32>
      %add3A_378 = arith.constant 255 : i32
      %add3A_379 = vector.broadcast %add3A_378 : i32 to vector<16xi32>
      %add3A_380 = arith.addi %iota3A, %add3A_379 : vector<16xi32>
      %gather3A_381 = tpu.vector_load_idx %arg8[%add3A_380] : memref<272xf32, #tpu.memory_space<vmem>>[vector<16xi32>], vector<16xf32>,
      %add3A_382 = arith.constant 255 : i32
      %add3A_383 = vector.broadcast %add3A_382 : i32 to vector<16xi32>
      %add3A_384 = arith.addi %iota3A, %add3A_383 : vector<16xi32>
      %gather3A_385 = tpu.vector_load_idx %arg9[%add3A_384] : memref<272xi32, #tpu.memory_space<vmem>>[vector<16xi32>], vector<16xi32>,
      %eq3A_386 = arith.cmpf oeq, %gather3A_381, %max3A_139 : vector<16xf32>
      %add3A_387 = arith.constant 15 : i32
      %add3A_388 = vector.broadcast %add3A_387 : i32 to vector<16xi32>
      %add3A_389 = arith.addi %gather3A_385, %add3A_388 : vector<16xi32>
      %jit3A_390 = arith.constant 1073741824 : i32
      %broadcast_in_dim3A_391 = vector.broadcast %jit3A_390 : i32 to vector<16xi32>
      %select_n3A_392 = arith.select %eq3A_386, %add3A_389, %broadcast_in_dim3A_391 : vector<16xi1>, vector<16xi32>
      %min3A_393 = arith.minsi %min3A_377, %select_n3A_392 : vector<16xi32>
      %add3A_394 = arith.constant 2 : i32
      %add3A_395 = arith.addi %add3A_46, %add3A_394 : i32
      %lt3A = arith.constant 32 : i32
      %lt3A_396 = arith.cmpi slt, %add3A_395, %lt3A : i32
      %convert_element_type3A = arith.extui %lt3A_396 : i1 to i32
      %cond3A = arith.constant 0 : i32
      %cond3A_397 = arith.cmpi ne, %convert_element_type3A, %cond3A : i32
      scf.if %cond3A_397 {
        %add3A_800 = arith.constant 2 : i32
        %add3A_801 = arith.addi %add3A_46, %add3A_800 : i32
        %mul3A_802 = arith.constant 16 : i32
        %mul3A_803 = arith.muli %add3A_801, %mul3A_802 : i32
        %add3A_804 = arith.addi %mul3A_2, %mul3A_803 : i32
        %dma_start3A_805 = arith.constant 0 : i32
        %dma_start3A_806 = tpu.memref_slice %arg2[%add3A_804, %dma_start3A_805] : memref<16384x1000xf32, #tpu.memory_space<hbm>> -> memref<16x1000xf32, #tpu.memory_space<hbm>>
        %dma_start3A_807 = arith.constant 0 : i32
        %dma_start3A_808 = tpu.memref_slice %arg2[%add3A_804, %dma_start3A_807] : memref<16384x1000xf32, #tpu.memory_space<hbm>> -> memref<16x1000xf32, #tpu.memory_space<hbm>>
        tpu.enqueue_dma source(%dma_start3A_808 : memref<16x1000xf32, #tpu.memory_space<hbm>>) target(%arg4 : memref<16x1000xf32, #tpu.memory_space<vmem>>) target_semaphore(%arg12 : memref<!tpu.dma_semaphore, #tpu.memory_space<semaphore_mem>>)
      } else {
      }
      %ge3A = arith.constant 2 : i32
      %ge3A_398 = arith.cmpi sge, %add3A_46, %ge3A : i32
      %convert_element_type3A_399 = arith.extui %ge3A_398 : i1 to i32
      %cond3A_400 = arith.constant 0 : i32
      %cond3A_401 = arith.cmpi ne, %convert_element_type3A_399, %cond3A_400 : i32
      scf.if %cond3A_401 {
        %sub3A = arith.constant 2 : i32
        %sub3A_800 = arith.subi %add3A_46, %sub3A : i32
        %mul3A_801 = arith.constant 16 : i32
        %mul3A_802 = arith.muli %sub3A_800, %mul3A_801 : i32
        %add3A_803 = arith.addi %mul3A_2, %mul3A_802 : i32
        %dma_wait3A_804 = arith.constant 0 : i32
        %dma_wait3A_805 = tpu.memref_slice %arg3[%add3A_803, %dma_wait3A_804] : memref<16384x1000xf32, #tpu.memory_space<hbm>> -> memref<16x1000xf32, #tpu.memory_space<hbm>>
        %dma_wait3A_806 = arith.constant 0 : i32
        %dma_wait3A_807 = tpu.memref_slice %arg3[%add3A_803, %dma_wait3A_806] : memref<16384x1000xf32, #tpu.memory_space<hbm>> -> memref<16x1000xf32, #tpu.memory_space<hbm>>
        tpu.wait_dma2 semaphore(%arg14 : memref<!tpu.dma_semaphore, #tpu.memory_space<semaphore_mem>>) src(%arg6 : memref<16x1000xf32, #tpu.memory_space<vmem>>) dst(%dma_wait3A_807 : memref<16x1000xf32, #tpu.memory_space<hbm>>)
      } else {
      }
      %get3A = arith.constant 0 : index
      %get3A_402 = tpu.vector_load %arg10[%get3A] {strides = array<i32>} : memref<16xi32, #tpu.memory_space<vmem>>, vector<16xi32>,
      %broadcast_in_dim3A_403 = arith.constant 0.000000e+00 : f32
      %broadcast_in_dim3A_404 = vector.broadcast %broadcast_in_dim3A_403 : f32 to vector<16xf32>
      tpu.vector_store_idx %arg6[%iota3A, %get3A_402], %broadcast_in_dim3A_404 : memref<16x1000xf32, #tpu.memory_space<vmem>>[vector<16xi32>, vector<16xi32>], vector<16xf32>,
      %broadcast_in_dim3A_405 = arith.constant 1.000000e+00 : f32
      %broadcast_in_dim3A_406 = vector.broadcast %broadcast_in_dim3A_405 : f32 to vector<16xf32>
      tpu.vector_store_idx %arg6[%iota3A, %min3A_393], %broadcast_in_dim3A_406 : memref<16x1000xf32, #tpu.memory_space<vmem>>[vector<16xi32>, vector<16xi32>], vector<16xf32>,
      %swap3A_407 = arith.constant 0 : index
      %swap3A_408 = tpu.vector_load %arg10[%swap3A_407] {strides = array<i32>} : memref<16xi32, #tpu.memory_space<vmem>>, vector<16xi32>,
      tpu.vector_store %arg10[%swap3A_407], %min3A_393 {strides = array<i32>} : memref<16xi32, #tpu.memory_space<vmem>>, vector<16xi32>,
      %mul3A_409 = arith.constant 16 : i32
      %mul3A_410 = arith.muli %add3A_46, %mul3A_409 : i32
      %add3A_411 = arith.addi %mul3A_2, %mul3A_410 : i32
      %dma_start3A_412 = arith.constant 0 : i32
      %dma_start3A_413 = tpu.memref_slice %arg3[%add3A_411, %dma_start3A_412] : memref<16384x1000xf32, #tpu.memory_space<hbm>> -> memref<16x1000xf32, #tpu.memory_space<hbm>>
      %dma_start3A_414 = arith.constant 0 : i32
      %dma_start3A_415 = tpu.memref_slice %arg3[%add3A_411, %dma_start3A_414] : memref<16384x1000xf32, #tpu.memory_space<hbm>> -> memref<16x1000xf32, #tpu.memory_space<hbm>>
      tpu.enqueue_dma source(%arg6 : memref<16x1000xf32, #tpu.memory_space<vmem>>) target(%dma_start3A_415 : memref<16x1000xf32, #tpu.memory_space<hbm>>) target_semaphore(%arg14 : memref<!tpu.dma_semaphore, #tpu.memory_space<semaphore_mem>>)
      %mul3A_416 = arith.constant 2 : i32
      %mul3A_417 = arith.muli %scan3A_42, %mul3A_416 : i32
      %add3A_418 = arith.constant 1 : i32
      %add3A_419 = arith.addi %mul3A_417, %add3A_418 : i32
      %mul3A_420 = arith.constant 16 : i32
      %mul3A_421 = arith.muli %add3A_419, %mul3A_420 : i32
      %add3A_422 = arith.addi %mul3A_2, %mul3A_421 : i32
      %dma_wait3A_423 = arith.constant 0 : i32
      %dma_wait3A_424 = tpu.memref_slice %arg2[%add3A_422, %dma_wait3A_423] : memref<16384x1000xf32, #tpu.memory_space<hbm>> -> memref<16x1000xf32, #tpu.memory_space<hbm>>
      %dma_wait3A_425 = arith.constant 0 : i32
      %dma_wait3A_426 = tpu.memref_slice %arg2[%add3A_422, %dma_wait3A_425] : memref<16384x1000xf32, #tpu.memory_space<hbm>> -> memref<16x1000xf32, #tpu.memory_space<hbm>>
      tpu.wait_dma2 semaphore(%arg13 : memref<!tpu.dma_semaphore, #tpu.memory_space<semaphore_mem>>) src(%dma_wait3A_426 : memref<16x1000xf32, #tpu.memory_space<hbm>>) dst(%arg5 : memref<16x1000xf32, #tpu.memory_space<vmem>>)
      %scan3A_427 = arith.constant 0 : i32
      %scan3A_428 = arith.constant 0 : i32
      %scan3A_429 = arith.constant 16 : i32
      %scan3A_430 = arith.addi %scan3A_428, %scan3A_429 : i32
      %scan3A_431 = arith.constant 1 : i32
      scf.for %scan3A_800 = %scan3A_428 to %scan3A_430 step %scan3A_431  : i32 {
        %broadcast_in_dim3A_801 = arith.constant 0xFF800000 : f32
        %broadcast_in_dim3A_802 = vector.broadcast %broadcast_in_dim3A_801 : f32 to vector<16xf32>
        %broadcast_in_dim3A_803 = arith.constant 0 : i32
        %broadcast_in_dim3A_804 = vector.broadcast %broadcast_in_dim3A_803 : i32 to vector<16xi32>
        %scan3A_805 = arith.constant 0 : i32
        %scan3A_806 = arith.constant 56 : i32
        %scan3A_807 = arith.addi %scan3A_805, %scan3A_806 : i32
        %scan3A_808 = arith.constant 8 : i32
        %scan3A_809:3 = scf.for %scan3A_901 = %scan3A_805 to %scan3A_807 step %scan3A_808 iter_args(%scan3A_902 = %broadcast_in_dim3A_802, %scan3A_903 = %broadcast_in_dim3A_804, %scan3A_904 = %broadcast_in_dim3A_804) -> (vector<16xf32>, vector<16xi32>, vector<16xi32>)  : i32 {
          %mul3A_905 = arith.constant 16 : i32
          %mul3A_906 = arith.muli %scan3A_901, %mul3A_905 : i32
          %get3A_907 = arith.index_cast %scan3A_800 : i32 to index
          %get3A_908 = arith.index_cast %mul3A_906 : i32 to index
          %get3A_909 = tpu.vector_load %arg5[%get3A_907, %get3A_908] {strides = array<i32>} : memref<16x1000xf32, #tpu.memory_space<vmem>>, vector<16xf32>,
          %gt3A_910 = arith.cmpf ogt, %get3A_909, %scan3A_902 : vector<16xf32>
          %max3A_911 = arith.maximumf %scan3A_902, %get3A_909 : vector<16xf32>
          %select_n3A_912 = arith.select %gt3A_910, %scan3A_904, %scan3A_903 : vector<16xi1>, vector<16xi32>
          %add3A_913 = arith.constant 16 : i32
          %add3A_914 = vector.broadcast %add3A_913 : i32 to vector<16xi32>
          %add3A_915 = arith.addi %scan3A_904, %add3A_914 : vector<16xi32>
          %scan3A_916 = arith.constant 1 : i32
          %scan3A_917 = arith.addi %scan3A_901, %scan3A_916 : i32
          %mul3A_918 = arith.constant 16 : i32
          %mul3A_919 = arith.muli %scan3A_917, %mul3A_918 : i32
          %get3A_920 = arith.index_cast %scan3A_800 : i32 to index
          %get3A_921 = arith.index_cast %mul3A_919 : i32 to index
          %get3A_922 = tpu.vector_load %arg5[%get3A_920, %get3A_921] {strides = array<i32>} : memref<16x1000xf32, #tpu.memory_space<vmem>>, vector<16xf32>,
          %gt3A_923 = arith.cmpf ogt, %get3A_922, %max3A_911 : vector<16xf32>
          %max3A_924 = arith.maximumf %max3A_911, %get3A_922 : vector<16xf32>
          %select_n3A_925 = arith.select %gt3A_923, %add3A_915, %select_n3A_912 : vector<16xi1>, vector<16xi32>
          %add3A_926 = arith.constant 16 : i32
          %add3A_927 = vector.broadcast %add3A_926 : i32 to vector<16xi32>
          %add3A_928 = arith.addi %add3A_915, %add3A_927 : vector<16xi32>
          %scan3A_929 = arith.constant 2 : i32
          %scan3A_930 = arith.addi %scan3A_901, %scan3A_929 : i32
          %mul3A_931 = arith.constant 16 : i32
          %mul3A_932 = arith.muli %scan3A_930, %mul3A_931 : i32
          %get3A_933 = arith.index_cast %scan3A_800 : i32 to index
          %get3A_934 = arith.index_cast %mul3A_932 : i32 to index
          %get3A_935 = tpu.vector_load %arg5[%get3A_933, %get3A_934] {strides = array<i32>} : memref<16x1000xf32, #tpu.memory_space<vmem>>, vector<16xf32>,
          %gt3A_936 = arith.cmpf ogt, %get3A_935, %max3A_924 : vector<16xf32>
          %max3A_937 = arith.maximumf %max3A_924, %get3A_935 : vector<16xf32>
          %select_n3A_938 = arith.select %gt3A_936, %add3A_928, %select_n3A_925 : vector<16xi1>, vector<16xi32>
          %add3A_939 = arith.constant 16 : i32
          %add3A_940 = vector.broadcast %add3A_939 : i32 to vector<16xi32>
          %add3A_941 = arith.addi %add3A_928, %add3A_940 : vector<16xi32>
          %scan3A_942 = arith.constant 3 : i32
          %scan3A_943 = arith.addi %scan3A_901, %scan3A_942 : i32
          %mul3A_944 = arith.constant 16 : i32
          %mul3A_945 = arith.muli %scan3A_943, %mul3A_944 : i32
          %get3A_946 = arith.index_cast %scan3A_800 : i32 to index
          %get3A_947 = arith.index_cast %mul3A_945 : i32 to index
          %get3A_948 = tpu.vector_load %arg5[%get3A_946, %get3A_947] {strides = array<i32>} : memref<16x1000xf32, #tpu.memory_space<vmem>>, vector<16xf32>,
          %gt3A_949 = arith.cmpf ogt, %get3A_948, %max3A_937 : vector<16xf32>
          %max3A_950 = arith.maximumf %max3A_937, %get3A_948 : vector<16xf32>
          %select_n3A_951 = arith.select %gt3A_949, %add3A_941, %select_n3A_938 : vector<16xi1>, vector<16xi32>
          %add3A_952 = arith.constant 16 : i32
          %add3A_953 = vector.broadcast %add3A_952 : i32 to vector<16xi32>
          %add3A_954 = arith.addi %add3A_941, %add3A_953 : vector<16xi32>
          %scan3A_955 = arith.constant 4 : i32
          %scan3A_956 = arith.addi %scan3A_901, %scan3A_955 : i32
          %mul3A_957 = arith.constant 16 : i32
          %mul3A_958 = arith.muli %scan3A_956, %mul3A_957 : i32
          %get3A_959 = arith.index_cast %scan3A_800 : i32 to index
          %get3A_960 = arith.index_cast %mul3A_958 : i32 to index
          %get3A_961 = tpu.vector_load %arg5[%get3A_959, %get3A_960] {strides = array<i32>} : memref<16x1000xf32, #tpu.memory_space<vmem>>, vector<16xf32>,
          %gt3A_962 = arith.cmpf ogt, %get3A_961, %max3A_950 : vector<16xf32>
          %max3A_963 = arith.maximumf %max3A_950, %get3A_961 : vector<16xf32>
          %select_n3A_964 = arith.select %gt3A_962, %add3A_954, %select_n3A_951 : vector<16xi1>, vector<16xi32>
          %add3A_965 = arith.constant 16 : i32
          %add3A_966 = vector.broadcast %add3A_965 : i32 to vector<16xi32>
          %add3A_967 = arith.addi %add3A_954, %add3A_966 : vector<16xi32>
          %scan3A_968 = arith.constant 5 : i32
          %scan3A_969 = arith.addi %scan3A_901, %scan3A_968 : i32
          %mul3A_970 = arith.constant 16 : i32
          %mul3A_971 = arith.muli %scan3A_969, %mul3A_970 : i32
          %get3A_972 = arith.index_cast %scan3A_800 : i32 to index
          %get3A_973 = arith.index_cast %mul3A_971 : i32 to index
          %get3A_974 = tpu.vector_load %arg5[%get3A_972, %get3A_973] {strides = array<i32>} : memref<16x1000xf32, #tpu.memory_space<vmem>>, vector<16xf32>,
          %gt3A_975 = arith.cmpf ogt, %get3A_974, %max3A_963 : vector<16xf32>
          %max3A_976 = arith.maximumf %max3A_963, %get3A_974 : vector<16xf32>
          %select_n3A_977 = arith.select %gt3A_975, %add3A_967, %select_n3A_964 : vector<16xi1>, vector<16xi32>
          %add3A_978 = arith.constant 16 : i32
          %add3A_979 = vector.broadcast %add3A_978 : i32 to vector<16xi32>
          %add3A_980 = arith.addi %add3A_967, %add3A_979 : vector<16xi32>
          %scan3A_981 = arith.constant 6 : i32
          %scan3A_982 = arith.addi %scan3A_901, %scan3A_981 : i32
          %mul3A_983 = arith.constant 16 : i32
          %mul3A_984 = arith.muli %scan3A_982, %mul3A_983 : i32
          %get3A_985 = arith.index_cast %scan3A_800 : i32 to index
          %get3A_986 = arith.index_cast %mul3A_984 : i32 to index
          %get3A_987 = tpu.vector_load %arg5[%get3A_985, %get3A_986] {strides = array<i32>} : memref<16x1000xf32, #tpu.memory_space<vmem>>, vector<16xf32>,
          %gt3A_988 = arith.cmpf ogt, %get3A_987, %max3A_976 : vector<16xf32>
          %max3A_989 = arith.maximumf %max3A_976, %get3A_987 : vector<16xf32>
          %select_n3A_990 = arith.select %gt3A_988, %add3A_980, %select_n3A_977 : vector<16xi1>, vector<16xi32>
          %add3A_991 = arith.constant 16 : i32
          %add3A_992 = vector.broadcast %add3A_991 : i32 to vector<16xi32>
          %add3A_993 = arith.addi %add3A_980, %add3A_992 : vector<16xi32>
          %scan3A_994 = arith.constant 7 : i32
          %scan3A_995 = arith.addi %scan3A_901, %scan3A_994 : i32
          %mul3A_996 = arith.constant 16 : i32
          %mul3A_997 = arith.muli %scan3A_995, %mul3A_996 : i32
          %get3A_998 = arith.index_cast %scan3A_800 : i32 to index
          %get3A_999 = arith.index_cast %mul3A_997 : i32 to index
          %get3A_1000 = tpu.vector_load %arg5[%get3A_998, %get3A_999] {strides = array<i32>} : memref<16x1000xf32, #tpu.memory_space<vmem>>, vector<16xf32>,
          %gt3A_1001 = arith.cmpf ogt, %get3A_1000, %max3A_989 : vector<16xf32>
          %max3A_1002 = arith.maximumf %max3A_989, %get3A_1000 : vector<16xf32>
          %select_n3A_1003 = arith.select %gt3A_1001, %add3A_993, %select_n3A_990 : vector<16xi1>, vector<16xi32>
          %add3A_1004 = arith.constant 16 : i32
          %add3A_1005 = vector.broadcast %add3A_1004 : i32 to vector<16xi32>
          %add3A_1006 = arith.addi %add3A_993, %add3A_1005 : vector<16xi32>
          scf.yield %max3A_1002, %select_n3A_1003, %add3A_1006 : vector<16xf32>, vector<16xi32>, vector<16xi32>
        }
        %scan3A_810 = arith.constant 56 : i32
        %scan3A_811 = arith.addi %scan3A_805, %scan3A_810 : i32
        %mul3A_812 = arith.constant 16 : i32
        %mul3A_813 = arith.muli %scan3A_811, %mul3A_812 : i32
        %get3A_814 = arith.index_cast %scan3A_800 : i32 to index
        %get3A_815 = arith.index_cast %mul3A_813 : i32 to index
        %get3A_816 = tpu.vector_load %arg5[%get3A_814, %get3A_815] {strides = array<i32>} : memref<16x1000xf32, #tpu.memory_space<vmem>>, vector<16xf32>,
        %gt3A = arith.cmpf ogt, %get3A_816, %scan3A_809#0 : vector<16xf32>
        %max3A_817 = arith.maximumf %scan3A_809#0, %get3A_816 : vector<16xf32>
        %select_n3A_818 = arith.select %gt3A, %scan3A_809#2, %scan3A_809#1 : vector<16xi1>, vector<16xi32>
        %add3A_819 = arith.constant 16 : i32
        %add3A_820 = vector.broadcast %add3A_819 : i32 to vector<16xi32>
        %add3A_821 = arith.addi %scan3A_809#2, %add3A_820 : vector<16xi32>
        %scan3A_822 = arith.constant 57 : i32
        %scan3A_823 = arith.addi %scan3A_805, %scan3A_822 : i32
        %mul3A_824 = arith.constant 16 : i32
        %mul3A_825 = arith.muli %scan3A_823, %mul3A_824 : i32
        %get3A_826 = arith.index_cast %scan3A_800 : i32 to index
        %get3A_827 = arith.index_cast %mul3A_825 : i32 to index
        %get3A_828 = tpu.vector_load %arg5[%get3A_826, %get3A_827] {strides = array<i32>} : memref<16x1000xf32, #tpu.memory_space<vmem>>, vector<16xf32>,
        %gt3A_829 = arith.cmpf ogt, %get3A_828, %max3A_817 : vector<16xf32>
        %max3A_830 = arith.maximumf %max3A_817, %get3A_828 : vector<16xf32>
        %select_n3A_831 = arith.select %gt3A_829, %add3A_821, %select_n3A_818 : vector<16xi1>, vector<16xi32>
        %add3A_832 = arith.constant 16 : i32
        %add3A_833 = vector.broadcast %add3A_832 : i32 to vector<16xi32>
        %add3A_834 = arith.addi %add3A_821, %add3A_833 : vector<16xi32>
        %scan3A_835 = arith.constant 58 : i32
        %scan3A_836 = arith.addi %scan3A_805, %scan3A_835 : i32
        %mul3A_837 = arith.constant 16 : i32
        %mul3A_838 = arith.muli %scan3A_836, %mul3A_837 : i32
        %get3A_839 = arith.index_cast %scan3A_800 : i32 to index
        %get3A_840 = arith.index_cast %mul3A_838 : i32 to index
        %get3A_841 = tpu.vector_load %arg5[%get3A_839, %get3A_840] {strides = array<i32>} : memref<16x1000xf32, #tpu.memory_space<vmem>>, vector<16xf32>,
        %gt3A_842 = arith.cmpf ogt, %get3A_841, %max3A_830 : vector<16xf32>
        %max3A_843 = arith.maximumf %max3A_830, %get3A_841 : vector<16xf32>
        %select_n3A_844 = arith.select %gt3A_842, %add3A_834, %select_n3A_831 : vector<16xi1>, vector<16xi32>
        %add3A_845 = arith.constant 16 : i32
        %add3A_846 = vector.broadcast %add3A_845 : i32 to vector<16xi32>
        %add3A_847 = arith.addi %add3A_834, %add3A_846 : vector<16xi32>
        %scan3A_848 = arith.constant 59 : i32
        %scan3A_849 = arith.addi %scan3A_805, %scan3A_848 : i32
        %mul3A_850 = arith.constant 16 : i32
        %mul3A_851 = arith.muli %scan3A_849, %mul3A_850 : i32
        %get3A_852 = arith.index_cast %scan3A_800 : i32 to index
        %get3A_853 = arith.index_cast %mul3A_851 : i32 to index
        %get3A_854 = tpu.vector_load %arg5[%get3A_852, %get3A_853] {strides = array<i32>} : memref<16x1000xf32, #tpu.memory_space<vmem>>, vector<16xf32>,
        %gt3A_855 = arith.cmpf ogt, %get3A_854, %max3A_843 : vector<16xf32>
        %max3A_856 = arith.maximumf %max3A_843, %get3A_854 : vector<16xf32>
        %select_n3A_857 = arith.select %gt3A_855, %add3A_847, %select_n3A_844 : vector<16xi1>, vector<16xi32>
        %add3A_858 = arith.constant 16 : i32
        %add3A_859 = vector.broadcast %add3A_858 : i32 to vector<16xi32>
        %add3A_860 = arith.addi %add3A_847, %add3A_859 : vector<16xi32>
        %scan3A_861 = arith.constant 60 : i32
        %scan3A_862 = arith.addi %scan3A_805, %scan3A_861 : i32
        %mul3A_863 = arith.constant 16 : i32
        %mul3A_864 = arith.muli %scan3A_862, %mul3A_863 : i32
        %get3A_865 = arith.index_cast %scan3A_800 : i32 to index
        %get3A_866 = arith.index_cast %mul3A_864 : i32 to index
        %get3A_867 = tpu.vector_load %arg5[%get3A_865, %get3A_866] {strides = array<i32>} : memref<16x1000xf32, #tpu.memory_space<vmem>>, vector<16xf32>,
        %gt3A_868 = arith.cmpf ogt, %get3A_867, %max3A_856 : vector<16xf32>
        %max3A_869 = arith.maximumf %max3A_856, %get3A_867 : vector<16xf32>
        %select_n3A_870 = arith.select %gt3A_868, %add3A_860, %select_n3A_857 : vector<16xi1>, vector<16xi32>
        %add3A_871 = arith.constant 16 : i32
        %add3A_872 = vector.broadcast %add3A_871 : i32 to vector<16xi32>
        %add3A_873 = arith.addi %add3A_860, %add3A_872 : vector<16xi32>
        %scan3A_874 = arith.constant 61 : i32
        %scan3A_875 = arith.addi %scan3A_805, %scan3A_874 : i32
        %mul3A_876 = arith.constant 16 : i32
        %mul3A_877 = arith.muli %scan3A_875, %mul3A_876 : i32
        %get3A_878 = arith.index_cast %scan3A_800 : i32 to index
        %get3A_879 = arith.index_cast %mul3A_877 : i32 to index
        %get3A_880 = tpu.vector_load %arg5[%get3A_878, %get3A_879] {strides = array<i32>} : memref<16x1000xf32, #tpu.memory_space<vmem>>, vector<16xf32>,
        %gt3A_881 = arith.cmpf ogt, %get3A_880, %max3A_869 : vector<16xf32>
        %max3A_882 = arith.maximumf %max3A_869, %get3A_880 : vector<16xf32>
        %select_n3A_883 = arith.select %gt3A_881, %add3A_873, %select_n3A_870 : vector<16xi1>, vector<16xi32>
        %add3A_884 = arith.constant 16 : i32
        %add3A_885 = vector.broadcast %add3A_884 : i32 to vector<16xi32>
        %add3A_886 = arith.addi %add3A_873, %add3A_885 : vector<16xi32>
        %scan3A_887 = arith.constant 62 : i32
        %get3A_888 = arith.index_cast %scan3A_800 : i32 to index
        %get3A_889 = arith.constant 984 : index
        %get3A_890 = tpu.vector_load %arg5[%get3A_888, %get3A_889] {strides = array<i32>} : memref<16x1000xf32, #tpu.memory_space<vmem>>, vector<16xf32>,
        %gt3A_891 = arith.cmpf ogt, %get3A_890, %max3A_882 : vector<16xf32>
        %max3A_892 = arith.maximumf %max3A_882, %get3A_890 : vector<16xf32>
        %broadcast_in_dim3A_893 = arith.constant 984 : i32
        %broadcast_in_dim3A_894 = vector.broadcast %broadcast_in_dim3A_893 : i32 to vector<16xi32>
        %select_n3A_895 = arith.select %gt3A_891, %broadcast_in_dim3A_894, %select_n3A_883 : vector<16xi1>, vector<16xi32>
        %mul3A_896 = arith.constant 17 : i32
        %mul3A_897 = vector.broadcast %mul3A_896 : i32 to vector<16xi32>
        %mul3A_898 = arith.muli %iota3A, %mul3A_897 : vector<16xi32>
        %add3A_899 = vector.broadcast %scan3A_800 : i32 to vector<16xi32>
        %add3A_900 = arith.addi %mul3A_898, %add3A_899 : vector<16xi32>
        tpu.vector_store_idx %arg8[%add3A_900], %max3A_892 : memref<272xf32, #tpu.memory_space<vmem>>[vector<16xi32>], vector<16xf32>,
        tpu.vector_store_idx %arg9[%add3A_900], %select_n3A_895 : memref<272xi32, #tpu.memory_space<vmem>>[vector<16xi32>], vector<16xi32>,
      }
      %scan3A_432 = arith.constant 16 : i32
      %broadcast_in_dim3A_433 = arith.constant 0xFF800000 : f32
      %broadcast_in_dim3A_434 = vector.broadcast %broadcast_in_dim3A_433 : f32 to vector<16xf32>
      %add3A_435 = arith.constant 0 : i32
      %add3A_436 = vector.broadcast %add3A_435 : i32 to vector<16xi32>
      %add3A_437 = arith.addi %iota3A, %add3A_436 : vector<16xi32>
      %gather3A_438 = tpu.vector_load_idx %arg8[%add3A_437] : memref<272xf32, #tpu.memory_space<vmem>>[vector<16xi32>], vector<16xf32>,
      %max3A_439 = arith.maximumf %broadcast_in_dim3A_434, %gather3A_438 : vector<16xf32>
      %add3A_440 = arith.constant 17 : i32
      %add3A_441 = vector.broadcast %add3A_440 : i32 to vector<16xi32>
      %add3A_442 = arith.addi %iota3A, %add3A_441 : vector<16xi32>
      %gather3A_443 = tpu.vector_load_idx %arg8[%add3A_442] : memref<272xf32, #tpu.memory_space<vmem>>[vector<16xi32>], vector<16xf32>,
      %max3A_444 = arith.maximumf %max3A_439, %gather3A_443 : vector<16xf32>
      %add3A_445 = arith.constant 34 : i32
      %add3A_446 = vector.broadcast %add3A_445 : i32 to vector<16xi32>
      %add3A_447 = arith.addi %iota3A, %add3A_446 : vector<16xi32>
      %gather3A_448 = tpu.vector_load_idx %arg8[%add3A_447] : memref<272xf32, #tpu.memory_space<vmem>>[vector<16xi32>], vector<16xf32>,
      %max3A_449 = arith.maximumf %max3A_444, %gather3A_448 : vector<16xf32>
      %add3A_450 = arith.constant 51 : i32
      %add3A_451 = vector.broadcast %add3A_450 : i32 to vector<16xi32>
      %add3A_452 = arith.addi %iota3A, %add3A_451 : vector<16xi32>
      %gather3A_453 = tpu.vector_load_idx %arg8[%add3A_452] : memref<272xf32, #tpu.memory_space<vmem>>[vector<16xi32>], vector<16xf32>,
      %max3A_454 = arith.maximumf %max3A_449, %gather3A_453 : vector<16xf32>
      %add3A_455 = arith.constant 68 : i32
      %add3A_456 = vector.broadcast %add3A_455 : i32 to vector<16xi32>
      %add3A_457 = arith.addi %iota3A, %add3A_456 : vector<16xi32>
      %gather3A_458 = tpu.vector_load_idx %arg8[%add3A_457] : memref<272xf32, #tpu.memory_space<vmem>>[vector<16xi32>], vector<16xf32>,
      %max3A_459 = arith.maximumf %max3A_454, %gather3A_458 : vector<16xf32>
      %add3A_460 = arith.constant 85 : i32
      %add3A_461 = vector.broadcast %add3A_460 : i32 to vector<16xi32>
      %add3A_462 = arith.addi %iota3A, %add3A_461 : vector<16xi32>
      %gather3A_463 = tpu.vector_load_idx %arg8[%add3A_462] : memref<272xf32, #tpu.memory_space<vmem>>[vector<16xi32>], vector<16xf32>,
      %max3A_464 = arith.maximumf %max3A_459, %gather3A_463 : vector<16xf32>
      %add3A_465 = arith.constant 102 : i32
      %add3A_466 = vector.broadcast %add3A_465 : i32 to vector<16xi32>
      %add3A_467 = arith.addi %iota3A, %add3A_466 : vector<16xi32>
      %gather3A_468 = tpu.vector_load_idx %arg8[%add3A_467] : memref<272xf32, #tpu.memory_space<vmem>>[vector<16xi32>], vector<16xf32>,
      %max3A_469 = arith.maximumf %max3A_464, %gather3A_468 : vector<16xf32>
      %add3A_470 = arith.constant 119 : i32
      %add3A_471 = vector.broadcast %add3A_470 : i32 to vector<16xi32>
      %add3A_472 = arith.addi %iota3A, %add3A_471 : vector<16xi32>
      %gather3A_473 = tpu.vector_load_idx %arg8[%add3A_472] : memref<272xf32, #tpu.memory_space<vmem>>[vector<16xi32>], vector<16xf32>,
      %max3A_474 = arith.maximumf %max3A_469, %gather3A_473 : vector<16xf32>
      %add3A_475 = arith.constant 136 : i32
      %add3A_476 = vector.broadcast %add3A_475 : i32 to vector<16xi32>
      %add3A_477 = arith.addi %iota3A, %add3A_476 : vector<16xi32>
      %gather3A_478 = tpu.vector_load_idx %arg8[%add3A_477] : memref<272xf32, #tpu.memory_space<vmem>>[vector<16xi32>], vector<16xf32>,
      %max3A_479 = arith.maximumf %max3A_474, %gather3A_478 : vector<16xf32>
      %add3A_480 = arith.constant 153 : i32
      %add3A_481 = vector.broadcast %add3A_480 : i32 to vector<16xi32>
      %add3A_482 = arith.addi %iota3A, %add3A_481 : vector<16xi32>
      %gather3A_483 = tpu.vector_load_idx %arg8[%add3A_482] : memref<272xf32, #tpu.memory_space<vmem>>[vector<16xi32>], vector<16xf32>,
      %max3A_484 = arith.maximumf %max3A_479, %gather3A_483 : vector<16xf32>
      %add3A_485 = arith.constant 170 : i32
      %add3A_486 = vector.broadcast %add3A_485 : i32 to vector<16xi32>
      %add3A_487 = arith.addi %iota3A, %add3A_486 : vector<16xi32>
      %gather3A_488 = tpu.vector_load_idx %arg8[%add3A_487] : memref<272xf32, #tpu.memory_space<vmem>>[vector<16xi32>], vector<16xf32>,
      %max3A_489 = arith.maximumf %max3A_484, %gather3A_488 : vector<16xf32>
      %add3A_490 = arith.constant 187 : i32
      %add3A_491 = vector.broadcast %add3A_490 : i32 to vector<16xi32>
      %add3A_492 = arith.addi %iota3A, %add3A_491 : vector<16xi32>
      %gather3A_493 = tpu.vector_load_idx %arg8[%add3A_492] : memref<272xf32, #tpu.memory_space<vmem>>[vector<16xi32>], vector<16xf32>,
      %max3A_494 = arith.maximumf %max3A_489, %gather3A_493 : vector<16xf32>
      %add3A_495 = arith.constant 204 : i32
      %add3A_496 = vector.broadcast %add3A_495 : i32 to vector<16xi32>
      %add3A_497 = arith.addi %iota3A, %add3A_496 : vector<16xi32>
      %gather3A_498 = tpu.vector_load_idx %arg8[%add3A_497] : memref<272xf32, #tpu.memory_space<vmem>>[vector<16xi32>], vector<16xf32>,
      %max3A_499 = arith.maximumf %max3A_494, %gather3A_498 : vector<16xf32>
      %add3A_500 = arith.constant 221 : i32
      %add3A_501 = vector.broadcast %add3A_500 : i32 to vector<16xi32>
      %add3A_502 = arith.addi %iota3A, %add3A_501 : vector<16xi32>
      %gather3A_503 = tpu.vector_load_idx %arg8[%add3A_502] : memref<272xf32, #tpu.memory_space<vmem>>[vector<16xi32>], vector<16xf32>,
      %max3A_504 = arith.maximumf %max3A_499, %gather3A_503 : vector<16xf32>
      %add3A_505 = arith.constant 238 : i32
      %add3A_506 = vector.broadcast %add3A_505 : i32 to vector<16xi32>
      %add3A_507 = arith.addi %iota3A, %add3A_506 : vector<16xi32>
      %gather3A_508 = tpu.vector_load_idx %arg8[%add3A_507] : memref<272xf32, #tpu.memory_space<vmem>>[vector<16xi32>], vector<16xf32>,
      %max3A_509 = arith.maximumf %max3A_504, %gather3A_508 : vector<16xf32>
      %add3A_510 = arith.constant 255 : i32
      %add3A_511 = vector.broadcast %add3A_510 : i32 to vector<16xi32>
      %add3A_512 = arith.addi %iota3A, %add3A_511 : vector<16xi32>
      %gather3A_513 = tpu.vector_load_idx %arg8[%add3A_512] : memref<272xf32, #tpu.memory_space<vmem>>[vector<16xi32>], vector<16xf32>,
      %max3A_514 = arith.maximumf %max3A_509, %gather3A_513 : vector<16xf32>
      %broadcast_in_dim3A_515 = arith.constant 1073741824 : i32
      %broadcast_in_dim3A_516 = vector.broadcast %broadcast_in_dim3A_515 : i32 to vector<16xi32>
      %add3A_517 = arith.constant 0 : i32
      %add3A_518 = vector.broadcast %add3A_517 : i32 to vector<16xi32>
      %add3A_519 = arith.addi %iota3A, %add3A_518 : vector<16xi32>
      %gather3A_520 = tpu.vector_load_idx %arg8[%add3A_519] : memref<272xf32, #tpu.memory_space<vmem>>[vector<16xi32>], vector<16xf32>,
      %add3A_521 = arith.constant 0 : i32
      %add3A_522 = vector.broadcast %add3A_521 : i32 to vector<16xi32>
      %add3A_523 = arith.addi %iota3A, %add3A_522 : vector<16xi32>
      %gather3A_524 = tpu.vector_load_idx %arg9[%add3A_523] : memref<272xi32, #tpu.memory_space<vmem>>[vector<16xi32>], vector<16xi32>,
      %eq3A_525 = arith.cmpf oeq, %gather3A_520, %max3A_514 : vector<16xf32>
      %add3A_526 = arith.constant 0 : i32
      %add3A_527 = vector.broadcast %add3A_526 : i32 to vector<16xi32>
      %add3A_528 = arith.addi %gather3A_524, %add3A_527 : vector<16xi32>
      %jit3A_529 = arith.constant 1073741824 : i32
      %broadcast_in_dim3A_530 = vector.broadcast %jit3A_529 : i32 to vector<16xi32>
      %select_n3A_531 = arith.select %eq3A_525, %add3A_528, %broadcast_in_dim3A_530 : vector<16xi1>, vector<16xi32>
      %min3A_532 = arith.minsi %broadcast_in_dim3A_516, %select_n3A_531 : vector<16xi32>
      %add3A_533 = arith.constant 17 : i32
      %add3A_534 = vector.broadcast %add3A_533 : i32 to vector<16xi32>
      %add3A_535 = arith.addi %iota3A, %add3A_534 : vector<16xi32>
      %gather3A_536 = tpu.vector_load_idx %arg8[%add3A_535] : memref<272xf32, #tpu.memory_space<vmem>>[vector<16xi32>], vector<16xf32>,
      %add3A_537 = arith.constant 17 : i32
      %add3A_538 = vector.broadcast %add3A_537 : i32 to vector<16xi32>
      %add3A_539 = arith.addi %iota3A, %add3A_538 : vector<16xi32>
      %gather3A_540 = tpu.vector_load_idx %arg9[%add3A_539] : memref<272xi32, #tpu.memory_space<vmem>>[vector<16xi32>], vector<16xi32>,
      %eq3A_541 = arith.cmpf oeq, %gather3A_536, %max3A_514 : vector<16xf32>
      %add3A_542 = arith.constant 1 : i32
      %add3A_543 = vector.broadcast %add3A_542 : i32 to vector<16xi32>
      %add3A_544 = arith.addi %gather3A_540, %add3A_543 : vector<16xi32>
      %jit3A_545 = arith.constant 1073741824 : i32
      %broadcast_in_dim3A_546 = vector.broadcast %jit3A_545 : i32 to vector<16xi32>
      %select_n3A_547 = arith.select %eq3A_541, %add3A_544, %broadcast_in_dim3A_546 : vector<16xi1>, vector<16xi32>
      %min3A_548 = arith.minsi %min3A_532, %select_n3A_547 : vector<16xi32>
      %add3A_549 = arith.constant 34 : i32
      %add3A_550 = vector.broadcast %add3A_549 : i32 to vector<16xi32>
      %add3A_551 = arith.addi %iota3A, %add3A_550 : vector<16xi32>
      %gather3A_552 = tpu.vector_load_idx %arg8[%add3A_551] : memref<272xf32, #tpu.memory_space<vmem>>[vector<16xi32>], vector<16xf32>,
      %add3A_553 = arith.constant 34 : i32
      %add3A_554 = vector.broadcast %add3A_553 : i32 to vector<16xi32>
      %add3A_555 = arith.addi %iota3A, %add3A_554 : vector<16xi32>
      %gather3A_556 = tpu.vector_load_idx %arg9[%add3A_555] : memref<272xi32, #tpu.memory_space<vmem>>[vector<16xi32>], vector<16xi32>,
      %eq3A_557 = arith.cmpf oeq, %gather3A_552, %max3A_514 : vector<16xf32>
      %add3A_558 = arith.constant 2 : i32
      %add3A_559 = vector.broadcast %add3A_558 : i32 to vector<16xi32>
      %add3A_560 = arith.addi %gather3A_556, %add3A_559 : vector<16xi32>
      %jit3A_561 = arith.constant 1073741824 : i32
      %broadcast_in_dim3A_562 = vector.broadcast %jit3A_561 : i32 to vector<16xi32>
      %select_n3A_563 = arith.select %eq3A_557, %add3A_560, %broadcast_in_dim3A_562 : vector<16xi1>, vector<16xi32>
      %min3A_564 = arith.minsi %min3A_548, %select_n3A_563 : vector<16xi32>
      %add3A_565 = arith.constant 51 : i32
      %add3A_566 = vector.broadcast %add3A_565 : i32 to vector<16xi32>
      %add3A_567 = arith.addi %iota3A, %add3A_566 : vector<16xi32>
      %gather3A_568 = tpu.vector_load_idx %arg8[%add3A_567] : memref<272xf32, #tpu.memory_space<vmem>>[vector<16xi32>], vector<16xf32>,
      %add3A_569 = arith.constant 51 : i32
      %add3A_570 = vector.broadcast %add3A_569 : i32 to vector<16xi32>
      %add3A_571 = arith.addi %iota3A, %add3A_570 : vector<16xi32>
      %gather3A_572 = tpu.vector_load_idx %arg9[%add3A_571] : memref<272xi32, #tpu.memory_space<vmem>>[vector<16xi32>], vector<16xi32>,
      %eq3A_573 = arith.cmpf oeq, %gather3A_568, %max3A_514 : vector<16xf32>
      %add3A_574 = arith.constant 3 : i32
      %add3A_575 = vector.broadcast %add3A_574 : i32 to vector<16xi32>
      %add3A_576 = arith.addi %gather3A_572, %add3A_575 : vector<16xi32>
      %jit3A_577 = arith.constant 1073741824 : i32
      %broadcast_in_dim3A_578 = vector.broadcast %jit3A_577 : i32 to vector<16xi32>
      %select_n3A_579 = arith.select %eq3A_573, %add3A_576, %broadcast_in_dim3A_578 : vector<16xi1>, vector<16xi32>
      %min3A_580 = arith.minsi %min3A_564, %select_n3A_579 : vector<16xi32>
      %add3A_581 = arith.constant 68 : i32
      %add3A_582 = vector.broadcast %add3A_581 : i32 to vector<16xi32>
      %add3A_583 = arith.addi %iota3A, %add3A_582 : vector<16xi32>
      %gather3A_584 = tpu.vector_load_idx %arg8[%add3A_583] : memref<272xf32, #tpu.memory_space<vmem>>[vector<16xi32>], vector<16xf32>,
      %add3A_585 = arith.constant 68 : i32
      %add3A_586 = vector.broadcast %add3A_585 : i32 to vector<16xi32>
      %add3A_587 = arith.addi %iota3A, %add3A_586 : vector<16xi32>
      %gather3A_588 = tpu.vector_load_idx %arg9[%add3A_587] : memref<272xi32, #tpu.memory_space<vmem>>[vector<16xi32>], vector<16xi32>,
      %eq3A_589 = arith.cmpf oeq, %gather3A_584, %max3A_514 : vector<16xf32>
      %add3A_590 = arith.constant 4 : i32
      %add3A_591 = vector.broadcast %add3A_590 : i32 to vector<16xi32>
      %add3A_592 = arith.addi %gather3A_588, %add3A_591 : vector<16xi32>
      %jit3A_593 = arith.constant 1073741824 : i32
      %broadcast_in_dim3A_594 = vector.broadcast %jit3A_593 : i32 to vector<16xi32>
      %select_n3A_595 = arith.select %eq3A_589, %add3A_592, %broadcast_in_dim3A_594 : vector<16xi1>, vector<16xi32>
      %min3A_596 = arith.minsi %min3A_580, %select_n3A_595 : vector<16xi32>
      %add3A_597 = arith.constant 85 : i32
      %add3A_598 = vector.broadcast %add3A_597 : i32 to vector<16xi32>
      %add3A_599 = arith.addi %iota3A, %add3A_598 : vector<16xi32>
      %gather3A_600 = tpu.vector_load_idx %arg8[%add3A_599] : memref<272xf32, #tpu.memory_space<vmem>>[vector<16xi32>], vector<16xf32>,
      %add3A_601 = arith.constant 85 : i32
      %add3A_602 = vector.broadcast %add3A_601 : i32 to vector<16xi32>
      %add3A_603 = arith.addi %iota3A, %add3A_602 : vector<16xi32>
      %gather3A_604 = tpu.vector_load_idx %arg9[%add3A_603] : memref<272xi32, #tpu.memory_space<vmem>>[vector<16xi32>], vector<16xi32>,
      %eq3A_605 = arith.cmpf oeq, %gather3A_600, %max3A_514 : vector<16xf32>
      %add3A_606 = arith.constant 5 : i32
      %add3A_607 = vector.broadcast %add3A_606 : i32 to vector<16xi32>
      %add3A_608 = arith.addi %gather3A_604, %add3A_607 : vector<16xi32>
      %jit3A_609 = arith.constant 1073741824 : i32
      %broadcast_in_dim3A_610 = vector.broadcast %jit3A_609 : i32 to vector<16xi32>
      %select_n3A_611 = arith.select %eq3A_605, %add3A_608, %broadcast_in_dim3A_610 : vector<16xi1>, vector<16xi32>
      %min3A_612 = arith.minsi %min3A_596, %select_n3A_611 : vector<16xi32>
      %add3A_613 = arith.constant 102 : i32
      %add3A_614 = vector.broadcast %add3A_613 : i32 to vector<16xi32>
      %add3A_615 = arith.addi %iota3A, %add3A_614 : vector<16xi32>
      %gather3A_616 = tpu.vector_load_idx %arg8[%add3A_615] : memref<272xf32, #tpu.memory_space<vmem>>[vector<16xi32>], vector<16xf32>,
      %add3A_617 = arith.constant 102 : i32
      %add3A_618 = vector.broadcast %add3A_617 : i32 to vector<16xi32>
      %add3A_619 = arith.addi %iota3A, %add3A_618 : vector<16xi32>
      %gather3A_620 = tpu.vector_load_idx %arg9[%add3A_619] : memref<272xi32, #tpu.memory_space<vmem>>[vector<16xi32>], vector<16xi32>,
      %eq3A_621 = arith.cmpf oeq, %gather3A_616, %max3A_514 : vector<16xf32>
      %add3A_622 = arith.constant 6 : i32
      %add3A_623 = vector.broadcast %add3A_622 : i32 to vector<16xi32>
      %add3A_624 = arith.addi %gather3A_620, %add3A_623 : vector<16xi32>
      %jit3A_625 = arith.constant 1073741824 : i32
      %broadcast_in_dim3A_626 = vector.broadcast %jit3A_625 : i32 to vector<16xi32>
      %select_n3A_627 = arith.select %eq3A_621, %add3A_624, %broadcast_in_dim3A_626 : vector<16xi1>, vector<16xi32>
      %min3A_628 = arith.minsi %min3A_612, %select_n3A_627 : vector<16xi32>
      %add3A_629 = arith.constant 119 : i32
      %add3A_630 = vector.broadcast %add3A_629 : i32 to vector<16xi32>
      %add3A_631 = arith.addi %iota3A, %add3A_630 : vector<16xi32>
      %gather3A_632 = tpu.vector_load_idx %arg8[%add3A_631] : memref<272xf32, #tpu.memory_space<vmem>>[vector<16xi32>], vector<16xf32>,
      %add3A_633 = arith.constant 119 : i32
      %add3A_634 = vector.broadcast %add3A_633 : i32 to vector<16xi32>
      %add3A_635 = arith.addi %iota3A, %add3A_634 : vector<16xi32>
      %gather3A_636 = tpu.vector_load_idx %arg9[%add3A_635] : memref<272xi32, #tpu.memory_space<vmem>>[vector<16xi32>], vector<16xi32>,
      %eq3A_637 = arith.cmpf oeq, %gather3A_632, %max3A_514 : vector<16xf32>
      %add3A_638 = arith.constant 7 : i32
      %add3A_639 = vector.broadcast %add3A_638 : i32 to vector<16xi32>
      %add3A_640 = arith.addi %gather3A_636, %add3A_639 : vector<16xi32>
      %jit3A_641 = arith.constant 1073741824 : i32
      %broadcast_in_dim3A_642 = vector.broadcast %jit3A_641 : i32 to vector<16xi32>
      %select_n3A_643 = arith.select %eq3A_637, %add3A_640, %broadcast_in_dim3A_642 : vector<16xi1>, vector<16xi32>
      %min3A_644 = arith.minsi %min3A_628, %select_n3A_643 : vector<16xi32>
      %add3A_645 = arith.constant 136 : i32
      %add3A_646 = vector.broadcast %add3A_645 : i32 to vector<16xi32>
      %add3A_647 = arith.addi %iota3A, %add3A_646 : vector<16xi32>
      %gather3A_648 = tpu.vector_load_idx %arg8[%add3A_647] : memref<272xf32, #tpu.memory_space<vmem>>[vector<16xi32>], vector<16xf32>,
      %add3A_649 = arith.constant 136 : i32
      %add3A_650 = vector.broadcast %add3A_649 : i32 to vector<16xi32>
      %add3A_651 = arith.addi %iota3A, %add3A_650 : vector<16xi32>
      %gather3A_652 = tpu.vector_load_idx %arg9[%add3A_651] : memref<272xi32, #tpu.memory_space<vmem>>[vector<16xi32>], vector<16xi32>,
      %eq3A_653 = arith.cmpf oeq, %gather3A_648, %max3A_514 : vector<16xf32>
      %add3A_654 = arith.constant 8 : i32
      %add3A_655 = vector.broadcast %add3A_654 : i32 to vector<16xi32>
      %add3A_656 = arith.addi %gather3A_652, %add3A_655 : vector<16xi32>
      %jit3A_657 = arith.constant 1073741824 : i32
      %broadcast_in_dim3A_658 = vector.broadcast %jit3A_657 : i32 to vector<16xi32>
      %select_n3A_659 = arith.select %eq3A_653, %add3A_656, %broadcast_in_dim3A_658 : vector<16xi1>, vector<16xi32>
      %min3A_660 = arith.minsi %min3A_644, %select_n3A_659 : vector<16xi32>
      %add3A_661 = arith.constant 153 : i32
      %add3A_662 = vector.broadcast %add3A_661 : i32 to vector<16xi32>
      %add3A_663 = arith.addi %iota3A, %add3A_662 : vector<16xi32>
      %gather3A_664 = tpu.vector_load_idx %arg8[%add3A_663] : memref<272xf32, #tpu.memory_space<vmem>>[vector<16xi32>], vector<16xf32>,
      %add3A_665 = arith.constant 153 : i32
      %add3A_666 = vector.broadcast %add3A_665 : i32 to vector<16xi32>
      %add3A_667 = arith.addi %iota3A, %add3A_666 : vector<16xi32>
      %gather3A_668 = tpu.vector_load_idx %arg9[%add3A_667] : memref<272xi32, #tpu.memory_space<vmem>>[vector<16xi32>], vector<16xi32>,
      %eq3A_669 = arith.cmpf oeq, %gather3A_664, %max3A_514 : vector<16xf32>
      %add3A_670 = arith.constant 9 : i32
      %add3A_671 = vector.broadcast %add3A_670 : i32 to vector<16xi32>
      %add3A_672 = arith.addi %gather3A_668, %add3A_671 : vector<16xi32>
      %jit3A_673 = arith.constant 1073741824 : i32
      %broadcast_in_dim3A_674 = vector.broadcast %jit3A_673 : i32 to vector<16xi32>
      %select_n3A_675 = arith.select %eq3A_669, %add3A_672, %broadcast_in_dim3A_674 : vector<16xi1>, vector<16xi32>
      %min3A_676 = arith.minsi %min3A_660, %select_n3A_675 : vector<16xi32>
      %add3A_677 = arith.constant 170 : i32
      %add3A_678 = vector.broadcast %add3A_677 : i32 to vector<16xi32>
      %add3A_679 = arith.addi %iota3A, %add3A_678 : vector<16xi32>
      %gather3A_680 = tpu.vector_load_idx %arg8[%add3A_679] : memref<272xf32, #tpu.memory_space<vmem>>[vector<16xi32>], vector<16xf32>,
      %add3A_681 = arith.constant 170 : i32
      %add3A_682 = vector.broadcast %add3A_681 : i32 to vector<16xi32>
      %add3A_683 = arith.addi %iota3A, %add3A_682 : vector<16xi32>
      %gather3A_684 = tpu.vector_load_idx %arg9[%add3A_683] : memref<272xi32, #tpu.memory_space<vmem>>[vector<16xi32>], vector<16xi32>,
      %eq3A_685 = arith.cmpf oeq, %gather3A_680, %max3A_514 : vector<16xf32>
      %add3A_686 = arith.constant 10 : i32
      %add3A_687 = vector.broadcast %add3A_686 : i32 to vector<16xi32>
      %add3A_688 = arith.addi %gather3A_684, %add3A_687 : vector<16xi32>
      %jit3A_689 = arith.constant 1073741824 : i32
      %broadcast_in_dim3A_690 = vector.broadcast %jit3A_689 : i32 to vector<16xi32>
      %select_n3A_691 = arith.select %eq3A_685, %add3A_688, %broadcast_in_dim3A_690 : vector<16xi1>, vector<16xi32>
      %min3A_692 = arith.minsi %min3A_676, %select_n3A_691 : vector<16xi32>
      %add3A_693 = arith.constant 187 : i32
      %add3A_694 = vector.broadcast %add3A_693 : i32 to vector<16xi32>
      %add3A_695 = arith.addi %iota3A, %add3A_694 : vector<16xi32>
      %gather3A_696 = tpu.vector_load_idx %arg8[%add3A_695] : memref<272xf32, #tpu.memory_space<vmem>>[vector<16xi32>], vector<16xf32>,
      %add3A_697 = arith.constant 187 : i32
      %add3A_698 = vector.broadcast %add3A_697 : i32 to vector<16xi32>
      %add3A_699 = arith.addi %iota3A, %add3A_698 : vector<16xi32>
      %gather3A_700 = tpu.vector_load_idx %arg9[%add3A_699] : memref<272xi32, #tpu.memory_space<vmem>>[vector<16xi32>], vector<16xi32>,
      %eq3A_701 = arith.cmpf oeq, %gather3A_696, %max3A_514 : vector<16xf32>
      %add3A_702 = arith.constant 11 : i32
      %add3A_703 = vector.broadcast %add3A_702 : i32 to vector<16xi32>
      %add3A_704 = arith.addi %gather3A_700, %add3A_703 : vector<16xi32>
      %jit3A_705 = arith.constant 1073741824 : i32
      %broadcast_in_dim3A_706 = vector.broadcast %jit3A_705 : i32 to vector<16xi32>
      %select_n3A_707 = arith.select %eq3A_701, %add3A_704, %broadcast_in_dim3A_706 : vector<16xi1>, vector<16xi32>
      %min3A_708 = arith.minsi %min3A_692, %select_n3A_707 : vector<16xi32>
      %add3A_709 = arith.constant 204 : i32
      %add3A_710 = vector.broadcast %add3A_709 : i32 to vector<16xi32>
      %add3A_711 = arith.addi %iota3A, %add3A_710 : vector<16xi32>
      %gather3A_712 = tpu.vector_load_idx %arg8[%add3A_711] : memref<272xf32, #tpu.memory_space<vmem>>[vector<16xi32>], vector<16xf32>,
      %add3A_713 = arith.constant 204 : i32
      %add3A_714 = vector.broadcast %add3A_713 : i32 to vector<16xi32>
      %add3A_715 = arith.addi %iota3A, %add3A_714 : vector<16xi32>
      %gather3A_716 = tpu.vector_load_idx %arg9[%add3A_715] : memref<272xi32, #tpu.memory_space<vmem>>[vector<16xi32>], vector<16xi32>,
      %eq3A_717 = arith.cmpf oeq, %gather3A_712, %max3A_514 : vector<16xf32>
      %add3A_718 = arith.constant 12 : i32
      %add3A_719 = vector.broadcast %add3A_718 : i32 to vector<16xi32>
      %add3A_720 = arith.addi %gather3A_716, %add3A_719 : vector<16xi32>
      %jit3A_721 = arith.constant 1073741824 : i32
      %broadcast_in_dim3A_722 = vector.broadcast %jit3A_721 : i32 to vector<16xi32>
      %select_n3A_723 = arith.select %eq3A_717, %add3A_720, %broadcast_in_dim3A_722 : vector<16xi1>, vector<16xi32>
      %min3A_724 = arith.minsi %min3A_708, %select_n3A_723 : vector<16xi32>
      %add3A_725 = arith.constant 221 : i32
      %add3A_726 = vector.broadcast %add3A_725 : i32 to vector<16xi32>
      %add3A_727 = arith.addi %iota3A, %add3A_726 : vector<16xi32>
      %gather3A_728 = tpu.vector_load_idx %arg8[%add3A_727] : memref<272xf32, #tpu.memory_space<vmem>>[vector<16xi32>], vector<16xf32>,
      %add3A_729 = arith.constant 221 : i32
      %add3A_730 = vector.broadcast %add3A_729 : i32 to vector<16xi32>
      %add3A_731 = arith.addi %iota3A, %add3A_730 : vector<16xi32>
      %gather3A_732 = tpu.vector_load_idx %arg9[%add3A_731] : memref<272xi32, #tpu.memory_space<vmem>>[vector<16xi32>], vector<16xi32>,
      %eq3A_733 = arith.cmpf oeq, %gather3A_728, %max3A_514 : vector<16xf32>
      %add3A_734 = arith.constant 13 : i32
      %add3A_735 = vector.broadcast %add3A_734 : i32 to vector<16xi32>
      %add3A_736 = arith.addi %gather3A_732, %add3A_735 : vector<16xi32>
      %jit3A_737 = arith.constant 1073741824 : i32
      %broadcast_in_dim3A_738 = vector.broadcast %jit3A_737 : i32 to vector<16xi32>
      %select_n3A_739 = arith.select %eq3A_733, %add3A_736, %broadcast_in_dim3A_738 : vector<16xi1>, vector<16xi32>
      %min3A_740 = arith.minsi %min3A_724, %select_n3A_739 : vector<16xi32>
      %add3A_741 = arith.constant 238 : i32
      %add3A_742 = vector.broadcast %add3A_741 : i32 to vector<16xi32>
      %add3A_743 = arith.addi %iota3A, %add3A_742 : vector<16xi32>
      %gather3A_744 = tpu.vector_load_idx %arg8[%add3A_743] : memref<272xf32, #tpu.memory_space<vmem>>[vector<16xi32>], vector<16xf32>,
      %add3A_745 = arith.constant 238 : i32
      %add3A_746 = vector.broadcast %add3A_745 : i32 to vector<16xi32>
      %add3A_747 = arith.addi %iota3A, %add3A_746 : vector<16xi32>
      %gather3A_748 = tpu.vector_load_idx %arg9[%add3A_747] : memref<272xi32, #tpu.memory_space<vmem>>[vector<16xi32>], vector<16xi32>,
      %eq3A_749 = arith.cmpf oeq, %gather3A_744, %max3A_514 : vector<16xf32>
      %add3A_750 = arith.constant 14 : i32
      %add3A_751 = vector.broadcast %add3A_750 : i32 to vector<16xi32>
      %add3A_752 = arith.addi %gather3A_748, %add3A_751 : vector<16xi32>
      %jit3A_753 = arith.constant 1073741824 : i32
      %broadcast_in_dim3A_754 = vector.broadcast %jit3A_753 : i32 to vector<16xi32>
      %select_n3A_755 = arith.select %eq3A_749, %add3A_752, %broadcast_in_dim3A_754 : vector<16xi1>, vector<16xi32>
      %min3A_756 = arith.minsi %min3A_740, %select_n3A_755 : vector<16xi32>
      %add3A_757 = arith.constant 255 : i32
      %add3A_758 = vector.broadcast %add3A_757 : i32 to vector<16xi32>
      %add3A_759 = arith.addi %iota3A, %add3A_758 : vector<16xi32>
      %gather3A_760 = tpu.vector_load_idx %arg8[%add3A_759] : memref<272xf32, #tpu.memory_space<vmem>>[vector<16xi32>], vector<16xf32>,
      %add3A_761 = arith.constant 255 : i32
      %add3A_762 = vector.broadcast %add3A_761 : i32 to vector<16xi32>
      %add3A_763 = arith.addi %iota3A, %add3A_762 : vector<16xi32>
      %gather3A_764 = tpu.vector_load_idx %arg9[%add3A_763] : memref<272xi32, #tpu.memory_space<vmem>>[vector<16xi32>], vector<16xi32>,
      %eq3A_765 = arith.cmpf oeq, %gather3A_760, %max3A_514 : vector<16xf32>
      %add3A_766 = arith.constant 15 : i32
      %add3A_767 = vector.broadcast %add3A_766 : i32 to vector<16xi32>
      %add3A_768 = arith.addi %gather3A_764, %add3A_767 : vector<16xi32>
      %jit3A_769 = arith.constant 1073741824 : i32
      %broadcast_in_dim3A_770 = vector.broadcast %jit3A_769 : i32 to vector<16xi32>
      %select_n3A_771 = arith.select %eq3A_765, %add3A_768, %broadcast_in_dim3A_770 : vector<16xi1>, vector<16xi32>
      %min3A_772 = arith.minsi %min3A_756, %select_n3A_771 : vector<16xi32>
      %add3A_773 = arith.constant 2 : i32
      %add3A_774 = arith.addi %add3A_419, %add3A_773 : i32
      %lt3A_775 = arith.constant 32 : i32
      %lt3A_776 = arith.cmpi slt, %add3A_774, %lt3A_775 : i32
      %convert_element_type3A_777 = arith.extui %lt3A_776 : i1 to i32
      %cond3A_778 = arith.constant 0 : i32
      %cond3A_779 = arith.cmpi ne, %convert_element_type3A_777, %cond3A_778 : i32
      scf.if %cond3A_779 {
        %add3A_800 = arith.constant 2 : i32
        %add3A_801 = arith.addi %add3A_419, %add3A_800 : i32
        %mul3A_802 = arith.constant 16 : i32
        %mul3A_803 = arith.muli %add3A_801, %mul3A_802 : i32
        %add3A_804 = arith.addi %mul3A_2, %mul3A_803 : i32
        %dma_start3A_805 = arith.constant 0 : i32
        %dma_start3A_806 = tpu.memref_slice %arg2[%add3A_804, %dma_start3A_805] : memref<16384x1000xf32, #tpu.memory_space<hbm>> -> memref<16x1000xf32, #tpu.memory_space<hbm>>
        %dma_start3A_807 = arith.constant 0 : i32
        %dma_start3A_808 = tpu.memref_slice %arg2[%add3A_804, %dma_start3A_807] : memref<16384x1000xf32, #tpu.memory_space<hbm>> -> memref<16x1000xf32, #tpu.memory_space<hbm>>
        tpu.enqueue_dma source(%dma_start3A_808 : memref<16x1000xf32, #tpu.memory_space<hbm>>) target(%arg5 : memref<16x1000xf32, #tpu.memory_space<vmem>>) target_semaphore(%arg13 : memref<!tpu.dma_semaphore, #tpu.memory_space<semaphore_mem>>)
      } else {
      }
      %ge3A_780 = arith.constant 2 : i32
      %ge3A_781 = arith.cmpi sge, %add3A_419, %ge3A_780 : i32
      %convert_element_type3A_782 = arith.extui %ge3A_781 : i1 to i32
      %cond3A_783 = arith.constant 0 : i32
      %cond3A_784 = arith.cmpi ne, %convert_element_type3A_782, %cond3A_783 : i32
      scf.if %cond3A_784 {
        %sub3A = arith.constant 2 : i32
        %sub3A_800 = arith.subi %add3A_419, %sub3A : i32
        %mul3A_801 = arith.constant 16 : i32
        %mul3A_802 = arith.muli %sub3A_800, %mul3A_801 : i32
        %add3A_803 = arith.addi %mul3A_2, %mul3A_802 : i32
        %dma_wait3A_804 = arith.constant 0 : i32
        %dma_wait3A_805 = tpu.memref_slice %arg3[%add3A_803, %dma_wait3A_804] : memref<16384x1000xf32, #tpu.memory_space<hbm>> -> memref<16x1000xf32, #tpu.memory_space<hbm>>
        %dma_wait3A_806 = arith.constant 0 : i32
        %dma_wait3A_807 = tpu.memref_slice %arg3[%add3A_803, %dma_wait3A_806] : memref<16384x1000xf32, #tpu.memory_space<hbm>> -> memref<16x1000xf32, #tpu.memory_space<hbm>>
        tpu.wait_dma2 semaphore(%arg15 : memref<!tpu.dma_semaphore, #tpu.memory_space<semaphore_mem>>) src(%arg7 : memref<16x1000xf32, #tpu.memory_space<vmem>>) dst(%dma_wait3A_807 : memref<16x1000xf32, #tpu.memory_space<hbm>>)
      } else {
      }
      %get3A_785 = arith.constant 0 : index
      %get3A_786 = tpu.vector_load %arg11[%get3A_785] {strides = array<i32>} : memref<16xi32, #tpu.memory_space<vmem>>, vector<16xi32>,
      %broadcast_in_dim3A_787 = arith.constant 0.000000e+00 : f32
      %broadcast_in_dim3A_788 = vector.broadcast %broadcast_in_dim3A_787 : f32 to vector<16xf32>
      tpu.vector_store_idx %arg7[%iota3A, %get3A_786], %broadcast_in_dim3A_788 : memref<16x1000xf32, #tpu.memory_space<vmem>>[vector<16xi32>, vector<16xi32>], vector<16xf32>,
      %broadcast_in_dim3A_789 = arith.constant 1.000000e+00 : f32
      %broadcast_in_dim3A_790 = vector.broadcast %broadcast_in_dim3A_789 : f32 to vector<16xf32>
      tpu.vector_store_idx %arg7[%iota3A, %min3A_772], %broadcast_in_dim3A_790 : memref<16x1000xf32, #tpu.memory_space<vmem>>[vector<16xi32>, vector<16xi32>], vector<16xf32>,
      %swap3A_791 = arith.constant 0 : index
      %swap3A_792 = tpu.vector_load %arg11[%swap3A_791] {strides = array<i32>} : memref<16xi32, #tpu.memory_space<vmem>>, vector<16xi32>,
      tpu.vector_store %arg11[%swap3A_791], %min3A_772 {strides = array<i32>} : memref<16xi32, #tpu.memory_space<vmem>>, vector<16xi32>,
      %mul3A_793 = arith.constant 16 : i32
      %mul3A_794 = arith.muli %add3A_419, %mul3A_793 : i32
      %add3A_795 = arith.addi %mul3A_2, %mul3A_794 : i32
      %dma_start3A_796 = arith.constant 0 : i32
      %dma_start3A_797 = tpu.memref_slice %arg3[%add3A_795, %dma_start3A_796] : memref<16384x1000xf32, #tpu.memory_space<hbm>> -> memref<16x1000xf32, #tpu.memory_space<hbm>>
      %dma_start3A_798 = arith.constant 0 : i32
      %dma_start3A_799 = tpu.memref_slice %arg3[%add3A_795, %dma_start3A_798] : memref<16384x1000xf32, #tpu.memory_space<hbm>> -> memref<16x1000xf32, #tpu.memory_space<hbm>>
      tpu.enqueue_dma source(%arg7 : memref<16x1000xf32, #tpu.memory_space<vmem>>) target(%dma_start3A_799 : memref<16x1000xf32, #tpu.memory_space<hbm>>) target_semaphore(%arg15 : memref<!tpu.dma_semaphore, #tpu.memory_space<semaphore_mem>>)
    }
    %scan3A_30 = arith.constant 16 : i32
    %add3A_31 = arith.constant 480 : i32
    %add3A_32 = arith.addi %mul3A_2, %add3A_31 : i32
    %dma_wait3A = arith.constant 0 : i32
    %dma_wait3A_33 = tpu.memref_slice %arg3[%add3A_32, %dma_wait3A] : memref<16384x1000xf32, #tpu.memory_space<hbm>> -> memref<16x1000xf32, #tpu.memory_space<hbm>>
    %dma_wait3A_34 = arith.constant 0 : i32
    %dma_wait3A_35 = tpu.memref_slice %arg3[%add3A_32, %dma_wait3A_34] : memref<16384x1000xf32, #tpu.memory_space<hbm>> -> memref<16x1000xf32, #tpu.memory_space<hbm>>
    tpu.wait_dma2 semaphore(%arg14 : memref<!tpu.dma_semaphore, #tpu.memory_space<semaphore_mem>>) src(%arg6 : memref<16x1000xf32, #tpu.memory_space<vmem>>) dst(%dma_wait3A_35 : memref<16x1000xf32, #tpu.memory_space<hbm>>)
    %add3A_36 = arith.constant 496 : i32
    %add3A_37 = arith.addi %mul3A_2, %add3A_36 : i32
    %dma_wait3A_38 = arith.constant 0 : i32
    %dma_wait3A_39 = tpu.memref_slice %arg3[%add3A_37, %dma_wait3A_38] : memref<16384x1000xf32, #tpu.memory_space<hbm>> -> memref<16x1000xf32, #tpu.memory_space<hbm>>
    %dma_wait3A_40 = arith.constant 0 : i32
    %dma_wait3A_41 = tpu.memref_slice %arg3[%add3A_37, %dma_wait3A_40] : memref<16384x1000xf32, #tpu.memory_space<hbm>> -> memref<16x1000xf32, #tpu.memory_space<hbm>>
    tpu.wait_dma2 semaphore(%arg15 : memref<!tpu.dma_semaphore, #tpu.memory_space<semaphore_mem>>) src(%arg7 : memref<16x1000xf32, #tpu.memory_space<vmem>>) dst(%dma_wait3A_41 : memref<16x1000xf32, #tpu.memory_space<hbm>>)
    return
  }
}

</mosaic_0001>

<sc_bundles>
// kernel: kernel.3.cloned.1.call-start
scs
__scs_entry_jumppad:
0x0: {  	(pc) =	sbr.rel $0x88, $3  }
0x1: {  	(tag) =	ssettag $0x0;
	lr =	simm.s32 $0x1  }
0x2: {  	[smem:$0x3FA0] =	sst lr;
	_ =	strace $0xD0000000  }
0x3: {  	_ = 	snop  }
0x4: {  	_ = 	snop  }
0x5: {  	_ = 	snop  }
0x6: {  	_ = 	snop  }
0x7: {  	_ = 	snop  }
__scs_overlays_trampoline_lowered:
0x8: {  	[smem:$0x3FAF] =	sst s0  }
0x9: {  	[smem:$0x3FB0] =	sst s1  }
0xa: {  	[smem:$0x3FB1] =	sst s2  }
0xb: {  	[smem:$0x3FB2] =	sst s3  }
0xc: {  	[smem:$0x3FB3] =	sst s4  }
0xd: {  	[smem:$0x3FB4] =	sst s5  }
0xe: {  	[smem:$0x3FB5] =	sst s6  }
0xf: {  	[smem:$0x3FB6] =	sst s7  }
0x10: {  	[smem:$0x3FB7] =	sst s8  }
0x11: {  	[smem:$0x3FB8] =	sst s9;
	s0 =	simm.s32 @!p0 $0x0  }
0x12: {  	s1 =	sld [smem:$0x3F9E];
	s0 =	simm.s32 @p0 $0x1  }
0x13: {  	[smem:$0x3FB9] =	sst s0;
	s0 =	simm.s32 @!p1 $0x0  }
0x14: {  	s2 =	sld [smem:$0x3F9D];
	s0 =	simm.s32 @p1 $0x1  }
0x15: {  	[smem:$0x3FBA] =	sst s0;
	s0 =	simm.s32 @!p2 $0x0  }
0x16: {  	s3 =	sld [smem:$0x3FDB];
	s0 =	simm.s32 @p2 $0x1  }
0x17: {  	s4 =	simm.s32 $0x1BF5;
	[smem:$0x3FBC] =	sst s0  }
0x18: {  	s0 =	sld [smem:$0x3F9F];
	_ =	swait.ge [sflag:s4], $0x0  }
0x19: {  	s7 =	sld [smem:$0x3FA0]  }
0x1a: {  	s8 =	sadd.s32 $0xFFFFE003, lr  }
0x1b: {  	s9 =	sadd.s32 $0xFFFFFEF7, lr;
	s5 =	simm.s32 $0xFFFFFFFF;
	p2 =	slt.u32 s8, $0xFFFFF086  }
0x1c: {  	p1 =	slt.u32 s9, $0xF7A;
	s5 =	simm.s32 @!p2 $0x0  }
0x1d: {  	s5 =	simm.s32 @p1 $0x1;
	p0 =	seq.s32 s7, s2  }
0x1e: {  	s7 =	smul.u32 @!p0 $0xF7A, s2;
	p2 =	seq.s32 @!p0 s5, $0x0  }
0x1f: {  	s9 =	smul.u32 $0xF7A, s1;
	s8 =	simm.s32 @!p0 $0x1BF5;
	p2 =	por !p2, p0  }
0x20: {  	[sflag:s8] =	ssyncset.s32 @!p0 $0xFFFFF086;
	s6 =	sadd.s32 @!p0 s3, s7;
	s7 =	simm.s32 @!p0 $0x108  }
0x21: {  	s3 =	sadd.s32 s3, s9;
	s6 =	sadd.s32 @!p0 $0x88, s6;
	s7 =	simm.s32 @p2 $0x1082  }
0x22: {  	[simem:s7], [sflag:s8] =	dma.local @!p0 [hbm:s6], $0xF7A  }
0x23: {  	s9 =	sor.u32 $0xD0000000, s2;
	s6 =	simm.s32 $0x108;
	_ =	swait.ge @!p0 [sflag:s8], $0x0  }
0x24: {  	s3 =	sadd.s32 $0x88, s3;
	s6 =	simm.s32 @!p1 $0x1082;
	[sflag:s4] =	ssyncset.s32 $0xFFFFF086  }
0x25: {  	[simem:s6], [sflag:s4] =	dma.local [hbm:s3], $0xF7A  }
0x26: {  	[smem:$0x3FA0] =	sst s1;
	(tag) =	ssettag s2;
	_ =	strace s9  }
0x27: {  	s1 =	sld [smem:$0x3FB0]  }
0x28: {  	s2 =	sld [smem:$0x3FB1]  }
0x29: {  	s4 =	sld [smem:$0x3FB3]  }
0x2a: {  	p0 =	seq.s32 s5, $0x0;
	s5 =	sld [smem:$0x3FB4]  }
0x2b: {  	s6 =	sld [smem:$0x3FB5]  }
0x2c: {  	s7 =	sld [smem:$0x3FB6]  }
0x2d: {  	s3 =	simm.s32 $0x108;
	s8 =	sld [smem:$0x3FB7]  }
0x2e: {  	s3 =	simm.s32 @!p0 $0x1082;
	s9 =	sld [smem:$0x3FB8]  }
0x2f: {  	lr =	sadd.s32 s0, s3;
	s0 =	sld [smem:$0x3FAF]  }
0x30: {  	s3 =	sld [smem:$0x3FB2]  }
0x31: {  	[smem:$0x3FBB] =	sst s10  }
0x32: {  	s10 =	sld [smem:$0x3FB9];
	_ =	sdelay $0x3  }
0x33: {  	p0 =	seq.s32 s10, $0x1;
	s10 =	sld [smem:$0x3FBB];
	_ =	sdelay $0x3  }
0x34: {  	[smem:$0x3FBB] =	sst s10  }
0x35: {  	s10 =	sld [smem:$0x3FBA];
	_ =	sdelay $0x3  }
0x36: {  	p1 =	seq.s32 s10, $0x1;
	s10 =	sld [smem:$0x3FBB];
	_ =	sdelay $0x3  }
0x37: {  	[smem:$0x3FBB] =	sst s10  }
0x38: {  	s10 =	sld [smem:$0x3FBC]  }
0x39: {  	_ = 	snop;
	(pc) =	sbr.ind lr, $3  }
0x3a: {  	_ = 	snop  }
0x3b: {  	_ = 	snop  }
0x3c: {  	p2 =	seq.s32 s10, $0x1;
	s10 =	sld [smem:$0x3FBB]  }
0x3d: {  	_ =	shalt  }
0x3e: {  	_ =	shalt  }
0x3f: {  	_ =	shalt  }
0x40: {  	_ =	shalt  }
0x41: {  	_ =	shalt  }
0x42: {  	_ =	shalt  }
0x43: {  	_ =	shalt  }
0x44: {  	_ =	shalt  }
0x45: {  	_ =	shalt  }
0x46: {  	_ =	shalt  }
0x47: {  	_ =	shalt  }
0x48: {  	_ =	shalt  }
0x49: {  	_ =	shalt  }
0x4a: {  	_ =	shalt  }
0x4b: {  	_ =	shalt  }
0x4c: {  	_ =	shalt  }
0x4d: {  	_ =	shalt  }
0x4e: {  	_ =	shalt  }
0x4f: {  	_ =	shalt  }
0x50: {  	_ =	shalt  }
0x51: {  	_ =	shalt  }
0x52: {  	_ =	shalt  }
0x53: {  	_ =	shalt  }
0x54: {  	_ =	shalt  }
0x55: {  	_ =	shalt  }
0x56: {  	_ =	shalt  }
0x57: {  	_ =	shalt  }
0x58: {  	_ =	shalt  }
0x59: {  	_ =	shalt  }
0x5a: {  	_ =	shalt  }
0x5b: {  	_ =	shalt  }
0x5c: {  	_ =	shalt  }
0x5d: {  	_ =	shalt  }
0x5e: {  	_ =	shalt  }
0x5f: {  	_ =	shalt  }
0x60: {  	_ =	shalt  }
0x61: {  	_ =	shalt  }
0x62: {  	_ =	shalt  }
0x63: {  	_ =	shalt  }
0x64: {  	_ =	shalt  }
0x65: {  	_ =	shalt  }
0x66: {  	_ =	shalt  }
0x67: {  	_ =	shalt  }
0x68: {  	_ =	shalt  }
0x69: {  	_ =	shalt  }
0x6a: {  	_ =	shalt  }
0x6b: {  	_ =	shalt  }
0x6c: {  	_ =	shalt  }
0x6d: {  	_ =	shalt  }
0x6e: {  	_ =	shalt  }
0x6f: {  	_ =	shalt  }
0x70: {  	_ =	shalt  }
0x71: {  	_ =	shalt  }
0x72: {  	_ =	shalt  }
0x73: {  	_ =	shalt  }
0x74: {  	_ =	shalt  }
0x75: {  	_ =	shalt  }
0x76: {  	_ =	shalt  }
0x77: {  	_ =	shalt  }
0x78: {  	_ =	shalt  }
0x79: {  	_ =	shalt  }
0x7a: {  	_ =	shalt  }
0x7b: {  	_ =	shalt  }
0x7c: {  	_ =	shalt  }
0x7d: {  	_ =	shalt  }
0x7e: {  	_ =	shalt  }
0x7f: {  	_ =	shalt  }
0x80: {  	_ =	shalt  }
0x81: {  	_ =	shalt  }
0x82: {  	_ =	shalt  }
0x83: {  	_ =	shalt  }
0x84: {  	_ =	shalt  }
0x85: {  	_ =	shalt  }
0x86: {  	_ =	shalt  }
0x87: {  	_ =	shalt  }
.Lfunc_end0:
.L_simem_size_0:
called_computation_lowered:
.L_overlay_start_0:
0x88: {  	s2 =	sld [smem:$0x3FD9]  }
0x89: {  	s3 =	sld [smem:$0x3FFE];
	_ =	sdelay $0x1  }
0x8a: {  	s1 =	srdreg.scid  }
0x8b: {  	s0 =	sand.u32 $0x1, s1  }
0x8c: {  	s16 =	sshll.u32 s0, $0xA;
	s2 =	sadd.s32 s3, s2  }
0x8d: {  	s2 =	sadd.s32 s2, s16  }
0x8e: {  	[smem:$0x3FC7] =	sst s2  }
0x8f: {  	_ = 	snop  }
0x90: {  	(tm) =	ssettm $0x1  }
0x91: {  	s17 =	sld [smem:$0x3FFB];
	_ =	sdelay $0x3  }
0x92: {  	_ =	strace s17  }
0x93: {  	s2 =	sld [smem:$0x3FFC];
	_ =	sdelay $0x3  }
0x94: {  	_ =	strace s2  }
0x95: {  	s2 =	sld [smem:$0x3FFD];
	_ =	sdelay $0x3  }
0x96: {  	_ =	strace s2  }
0x97: {  	_ =	strace $0x8FFFFFFF  }
0x98: {  	s18 =	sld [smem:$0x3FDB];
	_ =	sdelay $0x1  }
0x99: {  	s19 =	simm.s32 $_scs_section_size  }
0x9a: {  	s4 =	simm.s32 $_size__tile_overlayer_lowered;
	s5 =	simm.s32 $_tile_overlayer_lowered  }
0x9b: {  	s22 =	simm.s32 $0x1BFF;
	s21 =	sshll.u32 s5, $0x1;
	s2 =	sadd.s32 s19, s18  }
0x9c: {  	s6 =	simm.s32 $0x0;
	s20 =	sshll.u32 s4, $0x1;
	s4 =	sadd.s32 s21, s2  }
0x9d: {  	[timem:s6], [sflag:s22] =	dma.local [hbm:s4], s20  }
0x9e: {  	_ =	swait.ge [sflag:s22], s20  }
0x9f: {  	s3 =	ssub.s32 $0x0, s20;
	[sflag:s22] =	ssyncset.done $0x0  }
0xa0: {  	[sflag:s22] =	ssyncadd.s32 s3;
	_ =	sdelay $0x1  }
0xa1: {  	s23 =	simm.s32 $0x1B8B  }
0xa2: {  	_ =	swait.ge [sflag:s23], $0x1  }
0xa3: {  	[sflag:s23] =	ssyncset.done $0x0  }
0xa4: {  	s25 =	simm.s32 $0x1B8E;
	s24 =	sld [smem:$0x3FFE];
	[sflag:s23] =	ssyncadd.s32 $0xFFFFFFFF  }
0xa5: {  	s26 =	simm.s32 $execute0_lowered;
	[smem:$0x3FD2] =	sst s25  }
0xa6: {  	s4 =	sshll.u32 s26, $0x1;
	_ =	strace $0x80000046;
	[dreg:$0x1] =	wrdreg $0xFFFFFFFF  }
0xa7: {  	s28 =	simm.s32 $_size_execute0_lowered;
	s2 =	sadd.s32 s2, s4;
	[dreg:$0x0] =	wrdreg $0x0  }
0xa8: {  	s4 =	sshll.u32 s28, $0x1;
	[dreg:$0x2] =	wrdreg s2  }
0xa9: {  	[dreg:$0x3] =	wrdreg s4  }
0xaa: {  	[dreg:$0x4] =	wrdreg $0xC0  }
0xab: {  	_ =	task [dreg:s6], $0x5FFFF  }
0xac: {  	[dreg:$0x1] =	wrdreg $0xFFFFFFFF  }
0xad: {  	[dreg:$0x0] =	wrdreg $0x60  }
0xae: {  	[dreg:$0x2] =	wrdreg s24  }
0xaf: {  	[dreg:$0x3] =	wrdreg $0x9  }
0xb0: {  	_ =	task.clear_ibuf [dreg:s6], $0x4FFFF;
	_ =	strace $0x90000046  }
0xb1: {  	s29 =	simm.s32 $0x9;
	_ =	strace $0x80000048  }
0xb2: {  	_ =	swait.ge [sflag:s29], $0x1  }
0xb3: {  	[sflag:s29] =	ssyncadd.s32 $0xFFFFFFFF  }
0xb4: {  	_ =	strace $0x90000048  }
0xb5: {  	_ =	sfence  }
0xb6: {  	s30 =	sld [smem:$0x0];
	_ =	sdelay $0x2  }
0xb7: {  	s31 =	sshll.u32 s1, $0xD;
	s1 =	sshrl.u32 s1, $0x2  }
0xb8: {  	s3 =	sand.u32 $0x4000, s31;
	s1 =	sadd.s32 s1, s30  }
0xb9: {  	s0 =	sor.u32 s3, s0;
	s1 =	sshll.u32 s1, $0x11  }
0xba: {  	s0 =	sor.u32 s1, s0  }
0xbb: {  	s0 =	sadd.s32 $0x8F2B, s0  }
0xbc: {  	[sflag:s0] =	ssyncadd.remote.s32 $0x1  }
0xbd: {  	_ =	sfence.sel $0xFFFF  }
0xbe: {  	[dreg:$0x0] =	wrdreg $0xFFFFFFFF;
	(pc) =	sbr.abs _section_cstart, $3  }
0xbf: {  	[dreg:$0x1] =	wrdreg $0xFFFFFFFF  }
0xc0: {  	_ =	task.clear_ibuf [dreg:s6], $0x2FFFF;
	_ =	strace $0x9FFFFFFF  }
0xc1: {  	(tm) =	ssettm $0x7FFFFFFF  }
tec
execute0_lowered:
.L_overlay_start_1:
0x0: {  	(tag) =	ssettag $0x1  }
0x1: {  	v0 =	vimm.f32 $0.0e+00;
	v1 =	vimm.s32 $0x0;
	v2 =	vlaneseq.u32  }
0x2: {  	v5 =	vimm.s32 $0x2380;
	vm0 =	vcmask $0x300;
	vm14 =	vcmask $0x704  }
0x3: {  	vm15 =	vcmask $0xB08;
	vm4 =	vcmask $0xF0C;
	v6 =	vsel vm0, $0x0, v5  }
0x4: {  	vm5 =	vcmask $0x1310;
	vm6 =	vcmask $0x1714;
	v7 =	vsel vm14, $0x80, v6  }
0x5: {  	vm7 =	vcmask $0x1B18;
	vm8 =	vcmask $0x1F1C;
	v8 =	vsel vm15, $0x100, v7  }
0x6: {  	vm9 =	vcmask $0x2320;
	vm10 =	vcmask $0x2724;
	v9 =	vsel vm4, $0x180, v8  }
0x7: {  	s3 =	rddreg [dreg:$0x0];
	s2 =	srdreg.scid;
	vm11 =	vcmask $0x2B28;
	vm12 =	vcmask $0x2F2C;
	v10 =	vsel vm5, $0x200, v9  }
0x8: {  	s0 =	rddreg [dreg:$0x1];
	s1 =	stileid.u32;
	s10 =	simm.s32 $0x4000;
	vm13 =	vcmask $0x3330;
	v20 =	vimm.f32 $1.000000000e+00;
	v11 =	vsel vm6, $0x280, v10  }
0x9: {  	s11 =	simm.s32 $0x1;
	s12 =	simm.s32 $0x10000;
	s13 =	simm.s32 $0x10180;
	v3 =	vmul.u32 $0x11, v2;
	v4 =	vadd.s32 $0x11, v2;
	v12 =	vsel vm7, $0x300, v11  }
0xa: {  	s14 =	simm.s32 $0x8000;
	s15 =	simm.s32 $0x2;
	s16 =	simm.s32 $0xC000;
	v5 =	vadd.s32 $0x22, v2;
	v6 =	vadd.s32 $0x33, v2;
	v13 =	vsel vm8, $0x380, v12  }
0xb: {  	s17 =	simm.s32 $0x3;
	s18 =	simm.s32 $0x4;
	s4 =	sand.u32 $0x1, s2;
	vm14 =	vcmask $0x3734;
	v7 =	vadd.s32 $0x44, v2;
	v14 =	vsel vm9, $0x2000, v13  }
0xc: {  	s19 =	simm.s32 $0x0;
	s5 =	sshll.u32 s1, $0x11;
	s6 =	sshll.u32 s4, $0x10;
	vm15 =	vcmask $0x3B38;
	v8 =	vadd.s32 $0x55, v2;
	v15 =	vsel vm10, $0x2080, v14  }
0xd: {  	s2 =	simm.s32 $0x0;
	s4 =	ssub.s32 $0x2, s4;
	s5 =	sor.u32 s6, s5;
	v9 =	vadd.s32 $0x66, v2;
	v10 =	vadd.s32 $0x77, v2;
	v16 =	vsel vm11, $0x2100, v15  }
0xe: {  	[smem:$0x7FF] =	sst s2;
	s31 =	sshrl.u32 s4, $0x1;
	s9 =	sadd.s32 s5, s3;
	v11 =	vadd.s32 $0x88, v2;
	v12 =	vadd.s32 $0x99, v2;
	v17 =	vsel vm12, $0x2180, v16  }
0xf: {  	_ =	strace $0x80000047;
	s8 =	ssub.s32 s4, s31;
	s3 =	sadd.s32 $0xC00, s9;
	v13 =	vadd.s32 $0xAA, v2;
	v14 =	vadd.s32 $0xBB, v2;
	v18 =	vsel vm13, $0x2200, v17  }
0x10: {  	s4 =	sadd.s32 $0x1400, s9;
	s5 =	sadd.s32 $0x400, s9;
	s6 =	sadd.s32 $0x200400, s9;
	v15 =	vadd.s32 $0xCC, v2;
	v16 =	vadd.s32 $0xDD, v2;
	v19 =	vsel vm14, $0x2280, v18  }
0x11: {  	s7 =	sadd.s32 $0x1C00, s9;
	s8 =	smax.u32 s8, $0x1;
	s9 =	sadd.s32 $0x200C00, s9;
	v17 =	vadd.s32 $0xEE, v2;
	v18 =	vadd.s32 $0xFF, v2;
	v19 =	vsel vm15, $0x2300, v19  }
.LBB2_1:
0x12: {  	s20 =	simm.s32 $0x0  }
.LBB2_2:
0x13: {  	s21 =	sshll.u32 s20, $0xA;
	s22 =	sshll.u32 s20, $0x7  }
0x14: {  	s23 =	simm.s32 $0x0;
	s24 =	sand.u32 $0x2000, s21;
	s25 =	sand.u32 $0x380, s22  }
0x15: {  	s31 =	sand.u32 $0x1C00, s23;
	s24 =	sor.u32 s24, s25  }
0x16: {  	s26 =	sand.u32 $0x70, s23;
	s28 =	sor.u32 s31, s24  }
0x17: {  	s25 =	simm.s32 $0x10;
	s26 =	sor.u32 s26, s28  }
.LBB2_3:
0x18: {  	p0 =	sne.s32 s25, $0x3D0  }
0x19: {  	[tilespmem:s26+$0x8000] =	vst v0;
	s23 =	sadd.s32 $0x80, s23;
	s28 =	smov.u32 s25;
	s25 =	sadd.s32 $0x10, s25  }
.Ltmp0:
0x1a: {  	[tilespmem:s26+$0xC000] =	vst v0;
	(pc) =	sbr.rel @p0 .LBB2_3-.Ltmp0, $4  }
0x1b: {  	_ = 	snop  }
0x1c: {  	s26 =	sand.u32 $0x1C00, s23  }
0x1d: {  	s28 =	sand.u32 $0x70, s28;
	s26 =	sor.u32 s26, s24  }
0x1e: {  	s26 =	sor.u32 s28, s26  }
0x1f: {  	s20 =	sadd.s32 $0x1, s20  }
0x20: {  	p0 =	sne.s32 s20, $0x10  }
.Ltmp1:
0x21: {  	_ = 	snop;
	(pc) =	sbr.rel @p0 .LBB2_2-.Ltmp1, $4  }
0x22: {  	[tilespmem:s26+$0x8000] =	vst v0;
	s21 =	sor.u32 s21, s22  }
0x23: {  	[tilespmem:s26+$0xC000] =	vst v0;
	s21 =	sor.u32 $0x1C58, s21  }
0x24: {  	[tilespmem:s21+$0x8000] =	vst v0  }
0x25: {  	[tilespmem:s21+$0xC000] =	vst v0  }
0x26: {  	[tilespmem:$0x10300] =	vst v1  }
0x27: {  	[tilespmem:$0x10380] =	vst v1;
	s20 =	simm.s32 $0x0  }
0x28: {  	[tilespmem:s20], [sflag:$0x1] =	stream.linear.gather [hbm4b:s5+s20], $0x4000, $0x38;
	[tilespmem:$0x10400] =	vst v63  }
0x29: {  	_ = 	snop  }
0x2a: {  	[tilespmem:s10], [sflag:$0x2] =	stream.linear.gather [hbm4b:s3+s20], $0x4000, $0x38;
	[tilespmem:$0x10400] =	vst v63  }
.LBB2_6:
0x2b: {  	_ =	swait.ge [sflag:s11], $0x4000  }
0x2c: {  	s21 =	simm.s32 $0x0;
	[sflag:s11] =	ssyncset.done $0x0  }
0x2d: {  	s22 =	simm.s32 $0x0;
	s23 =	simm.s32 $0x0;
	[sflag:s11] =	ssyncadd.s32 $0xFFFFC000  }
.LBB2_7:
0x2e: {  	s24 =	sshll.u32 s22, $0x2;
	s25 =	sand.u32 $0x7, s21  }
0x2f: {  	s24 =	sand.u32 $0xFFFF8000, s24;
	s25 =	sshll.u32 s25, $0x9  }
0x30: {  	s24 =	sor.u32 s25, s24  }
0x31: {  	s24 =	sshrl.u32 s24, $0x2  }
0x32: {  	s28 =	sor.u32 $0x40, s24  }
0x33: {  	v22 =	vld [tilespmem:s28+$0xFFFFFFC0]  }
0x34: {  	v23 =	vld [tilespmem:s28+$0xFFFFFFD0]  }
0x35: {  	v24 =	vld [tilespmem:s28+$0xFFFFFFE0]  }
0x36: {  	v21 =	vimm.s32 $0x0;
	v25 =	vld [tilespmem:s28+$0xFFFFFFF0]  }
0x37: {  	v26 =	vimm.f32 $-Inf;
	v27 =	vor.u32 $0x10, v21;
	v28 =	vor.u32 $0x20, v21;
	v29 =	vld [tilespmem:s28+$0x0]  }
0x38: {  	v30 =	vor.u32 $0x30, v21;
	vm0 =	vgt.f32 v22, v26;
	v22 =	vmax.f32 v26, v22  }
0x39: {  	v26 =	vld [tilespmem:s28+$0x10];
	v31 =	vsel vm0, v21, v21;
	vm0 =	vgt.f32 v23, v22;
	v22 =	vmax.f32 v22, v23  }
0x3a: {  	v23 =	vsel vm0, v27, v31;
	vm0 =	vgt.f32 v24, v22;
	v22 =	vmax.f32 v22, v24  }
0x3b: {  	v23 =	vsel vm0, v28, v23;
	vm0 =	vgt.f32 v25, v22;
	v22 =	vmax.f32 v22, v25  }
0x3c: {  	v24 =	vor.u32 $0x40, v21;
	v25 =	vsel vm0, v30, v23;
	vm0 =	vgt.f32 v29, v22  }
0x3d: {  	s31 =	sshll.u32 s23, $0x7;
	s26 =	simm.s32 $0x0;
	v22 =	vmax.f32 v22, v29;
	v23 =	vld [tilespmem:s28+$0x20];
	v25 =	vsel vm0, v24, v25  }
0x3e: {  	s25 =	sand.u32 $0x380, s31;
	s24 =	sshll.u32 s23, $0xA;
	vm0 =	vgt.f32 v26, v22;
	v26 =	vmax.f32 v22, v26;
	v24 =	vld [tilespmem:s28+$0x30];
	s28 =	sadd.s32 $0x400, s28;
	v22 =	vimm.s32 $0x0  }
.LBB2_8:
0x3f: {  	v27 =	vld [tilespmem:s28+$0xFFFFFFC0];
	s26 =	sadd.s32 $0x8, s26;
	v28 =	vor.u32 $0x70, v21;
	v22 =	vadd.s32 $0x80, v22  }
0x40: {  	v31 =	vor.u32 $0x50, v21;
	v32 =	vor.u32 $0x60, v21;
	v29 =	vld [tilespmem:s28+$0xFFFFFFD0];
	v30 =	vor.u32 $0x40, v22;
	p0 =	slt.u32 s26, $0x30;
	v21 =	vmovc v22  }
0x41: {  	v33 =	vor.u32 $0x10, v22;
	v34 =	vor.u32 $0x20, v22;
	v36 =	vor.u32 $0x30, v22;
	v35 =	vld [tilespmem:s28+$0xFFFFFFE0]  }
0x42: {  	v25 =	vsel vm0, v31, v25;
	v37 =	vld [tilespmem:s28+$0xFFFFFFF0];
	vm0 =	vgt.f32 v23, v26;
	v23 =	vmax.f32 v26, v23  }
0x43: {  	v26 =	vld [tilespmem:s28+$0x0];
	v25 =	vsel vm0, v32, v25;
	vm0 =	vgt.f32 v24, v23;
	v23 =	vmax.f32 v23, v24  }
0x44: {  	vm1 =	vgt.f32 v27, v23;
	v23 =	vmax.f32 v23, v27;
	v24 =	vld [tilespmem:s28+$0x10];
	v25 =	vsel vm0, v28, v25  }
.Ltmp2:
0x45: {  	v25 =	vsel vm1, v22, v25;
	vm0 =	vgt.f32 v29, v23;
	v23 =	vmax.f32 v23, v29;
	(pc) =	sbr.rel @p0 .LBB2_8-.Ltmp2, $4  }
0x46: {  	v25 =	vsel vm0, v33, v25;
	vm0 =	vgt.f32 v35, v23;
	v23 =	vmax.f32 v23, v35  }
0x47: {  	v25 =	vsel vm0, v34, v25;
	vm0 =	vgt.f32 v37, v23;
	v23 =	vmax.f32 v23, v37  }
0x48: {  	v25 =	vsel vm0, v36, v25;
	vm0 =	vgt.f32 v26, v23;
	v26 =	vmax.f32 v23, v26;
	v23 =	vld [tilespmem:s28+$0x20]  }
0x49: {  	v25 =	vsel vm0, v30, v25;
	vm0 =	vgt.f32 v24, v26;
	v26 =	vmax.f32 v26, v24;
	v24 =	vld [tilespmem:s28+$0x30];
	s28 =	sadd.s32 $0x400, s28  }
0x4a: {  	s24 =	sor.u32 s24, s25  }
0x4b: {  	s25 =	sor.u32 $0x1C00, s24  }
0x4c: {  	v28 =	vor.u32 $0x50, v21;
	v27 =	vld [tilespmem:s25+$0x0]  }
0x4d: {  	v29 =	vor.u32 $0x60, v21;
	v21 =	vor.u32 $0x70, v21;
	v22 =	vadd.s32 $0x80, v22;
	s26 =	sor.u32 $0x1C10, s24  }
0x4e: {  	v62 =	vadd.s32 s23, v3;
	v25 =	vsel vm0, v28, v25;
	s28 =	sor.u32 $0x1C20, s24;
	v57 =	vor.u32 $0x10, v22;
	v53 =	vld [tilespmem:s26+$0x0]  }
0x4f: {  	s29 =	sor.u32 $0x1C30, s24;
	v58 =	vor.u32 $0x20, v22;
	v54 =	vld [tilespmem:s28+$0x0];
	vm7 =	vgt.f32 v23, v26;
	v23 =	vmax.f32 v26, v23  }
0x50: {  	s30 =	sor.u32 $0x1C40, s24;
	v55 =	vld [tilespmem:s29+$0x0];
	v25 =	vsel vm7, v29, v25;
	vm8 =	vgt.f32 v24, v23;
	v23 =	vmax.f32 v23, v24  }
0x51: {  	s31 =	sor.u32 $0x1C50, s24;
	v60 =	vor.u32 $0x30, v22;
	v56 =	vld [tilespmem:s30+$0x0];
	v21 =	vsel vm8, v21, v25;
	vm9 =	vgt.f32 v27, v23  }
0x52: {  	s24 =	sor.u32 $0x1C58, s24;
	v63 =	vor.u32 $0x40, v22;
	v59 =	vld [tilespmem:s31+$0x0];
	v23 =	vmax.f32 v23, v27;
	v21 =	vsel vm9, v22, v21  }
0x53: {  	v61 =	vld [tilespmem:s24+$0x0];
	vm10 =	vgt.f32 v53, v23;
	v23 =	vmax.f32 v23, v53;
	v22 =	vor.u32 $0x50, v22  }
0x54: {  	s23 =	sadd.s32 $0x1, s23;
	v21 =	vsel vm10, v57, v21;
	vm11 =	vgt.f32 v54, v23;
	v23 =	vmax.f32 v23, v54  }
0x55: {  	p0 =	sne.s32 s23, $0x10;
	v21 =	vsel vm11, v58, v21;
	vm12 =	vgt.f32 v55, v23;
	v23 =	vmax.f32 v23, v55  }
.Ltmp3:
0x56: {  	v21 =	vsel vm12, v60, v21;
	vm13 =	vgt.f32 v56, v23;
	v23 =	vmax.f32 v23, v56;
	(pc) =	sbr.rel @p0 .LBB2_7-.Ltmp3, $4  }
0x57: {  	v21 =	vsel vm13, v63, v21;
	vm14 =	vgt.f32 v59, v23;
	v23 =	vmax.f32 v23, v59  }
0x58: {  	v21 =	vsel vm14, v22, v21;
	vm15 =	vgt.f32 v61, v23;
	v22 =	vmax.f32 v23, v61  }
0x59: {  	v21 =	vsel vm15, $0x3D8, v21;
	[tilespmem:v62+s12+$0x0] =	vst.idx.msk $0xffff, v22  }
0x5a: {  	s22 =	sadd.s32 $0x400, s22;
	s21 =	sadd.s32 $0x1, s21;
	[tilespmem:v62+s13+$0x0] =	vst.idx.msk $0xffff, v21  }
0x5b: {  	_ =	sdelay $0x3  }
0x5c: {  	v47 =	vld.idx.msk [tilespmem:v2+s12+$0x0], $0xffff  }
0x5d: {  	v45 =	vld.idx.msk [tilespmem:v4+s12+$0x0], $0xffff  }
0x5e: {  	v44 =	vld.idx.msk [tilespmem:v5+s12+$0x0], $0xffff  }
0x5f: {  	v42 =	vld.idx.msk [tilespmem:v6+s12+$0x0], $0xffff  }
0x60: {  	v40 =	vld.idx.msk [tilespmem:v7+s12+$0x0], $0xffff  }
0x61: {  	v38 =	vld.idx.msk [tilespmem:v8+s12+$0x0], $0xffff  }
0x62: {  	v36 =	vld.idx.msk [tilespmem:v9+s12+$0x0], $0xffff  }
0x63: {  	v34 =	vld.idx.msk [tilespmem:v10+s12+$0x0], $0xffff  }
0x64: {  	v32 =	vld.idx.msk [tilespmem:v11+s12+$0x0], $0xffff  }
0x65: {  	v30 =	vld.idx.msk [tilespmem:v12+s12+$0x0], $0xffff  }
0x66: {  	v27 =	vld.idx.msk [tilespmem:v13+s12+$0x0], $0xffff  }
0x67: {  	v25 =	vld.idx.msk [tilespmem:v14+s12+$0x0], $0xffff  }
0x68: {  	v24 =	vld.idx.msk [tilespmem:v15+s12+$0x0], $0xffff  }
0x69: {  	v23 =	vld.idx.msk [tilespmem:v16+s12+$0x0], $0xffff  }
0x6a: {  	v22 =	vld.idx.msk [tilespmem:v17+s12+$0x0], $0xffff  }
0x6b: {  	v21 =	vld.idx.msk [tilespmem:v18+s12+$0x0], $0xffff  }
0x6c: {  	v52 =	vld.idx.msk [tilespmem:v2+s13+$0x0], $0xffff  }
0x6d: {  	v51 =	vld.idx.msk [tilespmem:v4+s13+$0x0], $0xffff  }
0x6e: {  	v50 =	vld.idx.msk [tilespmem:v5+s13+$0x0], $0xffff  }
0x6f: {  	v49 =	vld.idx.msk [tilespmem:v6+s13+$0x0], $0xffff  }
0x70: {  	v48 =	vld.idx.msk [tilespmem:v7+s13+$0x0], $0xffff  }
0x71: {  	v46 =	vld.idx.msk [tilespmem:v8+s13+$0x0], $0xffff  }
0x72: {  	v43 =	vld.idx.msk [tilespmem:v9+s13+$0x0], $0xffff  }
0x73: {  	v41 =	vld.idx.msk [tilespmem:v10+s13+$0x0], $0xffff  }
0x74: {  	v39 =	vld.idx.msk [tilespmem:v11+s13+$0x0], $0xffff;
	p0 =	seq.s32 s20, $0xF  }
0x75: {  	v37 =	vld.idx.msk [tilespmem:v12+s13+$0x0], $0xffff;
	p1 =	seq.s32 @!p0 s20, $0x0  }
0x76: {  	v35 =	vld.idx.msk [tilespmem:v13+s13+$0x0], $0xffff;
	p1 =	por p0, !p1  }
.Ltmp4:
0x77: {  	v33 =	vld.idx.msk [tilespmem:v14+s13+$0x0], $0xffff;
	(pc) =	sbr.rel @!p1 .LBB2_12-.Ltmp4, $4  }
0x78: {  	v31 =	vld.idx.msk [tilespmem:v15+s13+$0x0], $0xffff  }
0x79: {  	v29 =	vld.idx.msk [tilespmem:v16+s13+$0x0], $0xffff;
	s22 =	sshll.u32 @!p0 s20, $0xC  }
0x7a: {  	v28 =	vld.idx.msk [tilespmem:v17+s13+$0x0], $0xffff;
	s21 =	simm.s32 @!p0 $0x0;
	s23 =	sadd.s32 @!p0 s22, s4  }
0x7b: {  	v26 =	vld.idx.msk [tilespmem:v18+s13+$0x0], $0xffff;
	[tilespmem:s21], [sflag:$0x1] =	stream.linear.gather @!p0 [hbm4b:s23+s21], $0x4000, $0x38  }
0x7c: {  	_ =	swait.ge [sflag:s17], $0x4000  }
0x7d: {  	s22 =	simm.s32 @p0 $0xF000;
	[sflag:s17] =	ssyncset.done $0x0  }
0x7e: {  	s21 =	smov.u32 s22;
	[sflag:s17] =	ssyncadd.s32 $0xFFFFC000  }
.LBB2_12:
0x7f: {  	v53 =	vmax.f32 v47, v45  }
0x80: {  	v53 =	vmax.f32 v53, v44  }
0x81: {  	v53 =	vmax.f32 v53, v42  }
0x82: {  	v53 =	vmax.f32 v53, v40  }
0x83: {  	v53 =	vmax.f32 v53, v38  }
0x84: {  	v53 =	vmax.f32 v53, v36  }
0x85: {  	v53 =	vmax.f32 v53, v34  }
0x86: {  	v53 =	vmax.f32 v53, v32  }
0x87: {  	v53 =	vmax.f32 v53, v30  }
0x88: {  	v53 =	vmax.f32 v53, v27  }
0x89: {  	v53 =	vmax.f32 v53, v25  }
0x8a: {  	v53 =	vmax.f32 v53, v24  }
0x8b: {  	v53 =	vmax.f32 v53, v23  }
0x8c: {  	v53 =	vmax.f32 v53, v22  }
0x8d: {  	vm0 =	vlt.s32 v52, $0x40000000;
	v53 =	vmax.f32 v53, v21  }
0x8e: {  	v62 =	vnsel vm0, $0x40000000, v52;
	vm1 =	veq.f32 v47, v53  }
0x8f: {  	v51 =	vadd.s32 $0x1, v51;
	v47 =	vnsel vm1, $0x40000000, v62  }
0x90: {  	v50 =	vadd.s32 $0x2, v50;
	vm1 =	vlt.s32 v47, v51  }
0x91: {  	vm13 =	veq.f32 v45, v53;
	vm14 =	veq.f32 v44, v53;
	v63 =	vsel vm1, v47, v51  }
0x92: {  	v44 =	vnsel vm14, $0x40000000, v50;
	v45 =	vsel vm13, v63, v47  }
0x93: {  	vm15 =	veq.f32 v42, v53;
	v51 =	vadd.s32 $0x3, v49;
	vm0 =	vlt.s32 v45, v44  }
0x94: {  	v42 =	vnsel vm15, $0x40000000, v51;
	v44 =	vsel vm0, v45, v44  }
0x95: {  	v52 =	vadd.s32 $0x4, v48;
	vm4 =	veq.f32 v40, v53;
	vm0 =	vlt.s32 v44, v42  }
0x96: {  	v40 =	vnsel vm4, $0x40000000, v52;
	v42 =	vsel vm0, v44, v42  }
0x97: {  	v54 =	vadd.s32 $0x5, v46;
	vm5 =	veq.f32 v38, v53;
	vm0 =	vlt.s32 v42, v40  }
0x98: {  	v38 =	vnsel vm5, $0x40000000, v54;
	v40 =	vsel vm0, v42, v40  }
0x99: {  	v55 =	vadd.s32 $0x6, v43;
	vm6 =	veq.f32 v36, v53;
	vm0 =	vlt.s32 v40, v38  }
0x9a: {  	v36 =	vnsel vm6, $0x40000000, v55;
	v38 =	vsel vm0, v40, v38  }
0x9b: {  	v56 =	vadd.s32 $0x7, v41;
	vm7 =	veq.f32 v34, v53;
	vm0 =	vlt.s32 v38, v36  }
0x9c: {  	v34 =	vnsel vm7, $0x40000000, v56;
	v36 =	vsel vm0, v38, v36  }
0x9d: {  	v57 =	vadd.s32 $0x8, v39;
	vm8 =	veq.f32 v32, v53;
	vm0 =	vlt.s32 v36, v34  }
0x9e: {  	v32 =	vnsel vm8, $0x40000000, v57;
	v34 =	vsel vm0, v36, v34  }
0x9f: {  	v58 =	vadd.s32 $0x9, v37;
	vm9 =	veq.f32 v30, v53;
	vm0 =	vlt.s32 v34, v32  }
0xa0: {  	v30 =	vnsel vm9, $0x40000000, v58;
	v32 =	vsel vm0, v34, v32  }
0xa1: {  	v59 =	vadd.s32 $0xA, v35;
	vm10 =	veq.f32 v27, v53;
	vm0 =	vlt.s32 v32, v30  }
0xa2: {  	v27 =	vnsel vm10, $0x40000000, v59;
	v30 =	vsel vm0, v32, v30  }
0xa3: {  	v60 =	vadd.s32 $0xB, v33;
	vm11 =	veq.f32 v25, v53;
	vm0 =	vlt.s32 v30, v27  }
0xa4: {  	v25 =	vnsel vm11, $0x40000000, v60;
	v27 =	vsel vm0, v30, v27  }
0xa5: {  	v61 =	vadd.s32 $0xC, v31;
	vm12 =	veq.f32 v24, v53;
	vm0 =	vlt.s32 v27, v25  }
0xa6: {  	v24 =	vnsel vm12, $0x40000000, v61;
	v25 =	vsel vm0, v27, v25  }
0xa7: {  	vm13 =	veq.f32 v23, v53;
	v23 =	vadd.s32 $0xD, v29;
	vm0 =	vlt.s32 v25, v24  }
0xa8: {  	v23 =	vnsel vm13, $0x40000000, v23;
	v24 =	vsel vm0, v25, v24  }
0xa9: {  	vm14 =	veq.f32 v22, v53;
	v22 =	vadd.s32 $0xE, v28;
	v62 =	vld [tilespmem:$0x10300];
	vm0 =	vlt.s32 v24, v23  }
0xaa: {  	v22 =	vnsel vm14, $0x40000000, v22;
	v23 =	vsel vm0, v24, v23  }
0xab: {  	vm15 =	veq.f32 v21, v53;
	v21 =	vadd.s32 $0xF, v26;
	vm0 =	vlt.s32 v23, v22  }
0xac: {  	v21 =	vnsel vm15, $0x40000000, v21;
	v22 =	vsel vm0, v23, v22  }
0xad: {  	vm0 =	vlt.s32 v22, v21  }
0xae: {  	v21 =	vsel vm0, v22, v21;
	v22 =	vshll.u32 v62, $0x3  }
0xaf: {  	v23 =	vand.u32 $0x7F, v62;
	v22 =	vand.u32 $0xFFFFFC00, v22;
	v63 =	vshll.u32 v21, $0x3  }
0xb0: {  	v22 =	vor.u32 v23, v22;
	v23 =	vand.u32 $0x7F, v21;
	v24 =	vand.u32 $0xFFFFFC00, v63  }
0xb1: {  	v22 =	vadd.s32 v19, v22;
	v23 =	vor.u32 v23, v24  }
0xb2: {  	v23 =	vadd.s32 v19, v23;
	_ =	sdelay $0x3  }
0xb3: {  	[tilespmem:v22+s14+$0x0] =	vst.idx.msk $0xffff, v0  }
0xb4: {  	[tilespmem:v23+s14+$0x0] =	vst.idx.msk $0xffff, v20  }
0xb5: {  	s23 =	sadd.s32 s21, s6;
	s22 =	simm.s32 $0x0;
	[tilespmem:$0x10300] =	vst v21  }
0xb6: {  	[hbm4b:s23+s22] =	stream.linear.scatter [tilespmem:s14], [sflag:$0x3], $0x4000, $0x38;
	[tilespmem:$0x10400] =	vst v63  }
0xb7: {  	_ =	swait.ge [sflag:s15], $0x4000  }
0xb8: {  	[sflag:s15] =	ssyncset.done $0x0  }
0xb9: {  	s24 =	simm.s32 $0x0;
	s23 =	simm.s32 $0x0;
	[sflag:s15] =	ssyncadd.s32 $0xFFFFC000  }
.LBB2_13:
0xba: {  	s25 =	sshll.u32 s23, $0x2;
	s26 =	sand.u32 $0x7, s22  }
0xbb: {  	s25 =	sand.u32 $0xFFFF8000, s25;
	s26 =	sshll.u32 s26, $0x9  }
0xbc: {  	s25 =	sor.u32 s26, s25  }
0xbd: {  	s25 =	sshrl.u32 s25, $0x2  }
0xbe: {  	s29 =	sadd.s32 $0x4040, s25  }
0xbf: {  	v22 =	vld [tilespmem:s29+$0xFFFFFFC0]  }
0xc0: {  	v23 =	vld [tilespmem:s29+$0xFFFFFFD0]  }
0xc1: {  	v24 =	vld [tilespmem:s29+$0xFFFFFFE0]  }
0xc2: {  	v21 =	vimm.s32 $0x0;
	v25 =	vld [tilespmem:s29+$0xFFFFFFF0]  }
0xc3: {  	v26 =	vimm.f32 $-Inf;
	v27 =	vor.u32 $0x10, v21;
	v28 =	vor.u32 $0x20, v21;
	v29 =	vld [tilespmem:s29+$0x0]  }
0xc4: {  	v30 =	vor.u32 $0x30, v21;
	vm0 =	vgt.f32 v22, v26;
	v22 =	vmax.f32 v26, v22  }
0xc5: {  	v26 =	vld [tilespmem:s29+$0x10];
	v31 =	vsel vm0, v21, v21;
	vm0 =	vgt.f32 v23, v22;
	v22 =	vmax.f32 v22, v23  }
0xc6: {  	v23 =	vsel vm0, v27, v31;
	vm0 =	vgt.f32 v24, v22;
	v22 =	vmax.f32 v22, v24  }
0xc7: {  	v23 =	vsel vm0, v28, v23;
	vm0 =	vgt.f32 v25, v22;
	v22 =	vmax.f32 v22, v25  }
0xc8: {  	v24 =	vor.u32 $0x40, v21;
	v25 =	vsel vm0, v30, v23;
	vm0 =	vgt.f32 v29, v22  }
0xc9: {  	s31 =	sshll.u32 s24, $0x7;
	s28 =	simm.s32 $0x0;
	v22 =	vmax.f32 v22, v29;
	v23 =	vld [tilespmem:s29+$0x20];
	v25 =	vsel vm0, v24, v25  }
0xca: {  	s26 =	sand.u32 $0x380, s31;
	s25 =	sshll.u32 s24, $0xA;
	vm0 =	vgt.f32 v26, v22;
	v26 =	vmax.f32 v22, v26;
	v24 =	vld [tilespmem:s29+$0x30];
	s29 =	sadd.s32 $0x400, s29;
	v22 =	vimm.s32 $0x0  }
.LBB2_14:
0xcb: {  	v27 =	vld [tilespmem:s29+$0xFFFFFFC0];
	s28 =	sadd.s32 $0x8, s28;
	v28 =	vor.u32 $0x70, v21;
	v22 =	vadd.s32 $0x80, v22  }
0xcc: {  	v31 =	vor.u32 $0x50, v21;
	v32 =	vor.u32 $0x60, v21;
	v29 =	vld [tilespmem:s29+$0xFFFFFFD0];
	v30 =	vor.u32 $0x40, v22;
	p2 =	slt.u32 s28, $0x30;
	v21 =	vmovc v22  }
0xcd: {  	v33 =	vor.u32 $0x10, v22;
	v34 =	vor.u32 $0x20, v22;
	v36 =	vor.u32 $0x30, v22;
	v35 =	vld [tilespmem:s29+$0xFFFFFFE0]  }
0xce: {  	v25 =	vsel vm0, v31, v25;
	v37 =	vld [tilespmem:s29+$0xFFFFFFF0];
	vm0 =	vgt.f32 v23, v26;
	v23 =	vmax.f32 v26, v23  }
0xcf: {  	v26 =	vld [tilespmem:s29+$0x0];
	v25 =	vsel vm0, v32, v25;
	vm0 =	vgt.f32 v24, v23;
	v23 =	vmax.f32 v23, v24  }
0xd0: {  	vm1 =	vgt.f32 v27, v23;
	v23 =	vmax.f32 v23, v27;
	v24 =	vld [tilespmem:s29+$0x10];
	v25 =	vsel vm0, v28, v25  }
.Ltmp5:
0xd1: {  	v25 =	vsel vm1, v22, v25;
	vm0 =	vgt.f32 v29, v23;
	v23 =	vmax.f32 v23, v29;
	(pc) =	sbr.rel @p2 .LBB2_14-.Ltmp5, $4  }
0xd2: {  	v25 =	vsel vm0, v33, v25;
	vm0 =	vgt.f32 v35, v23;
	v23 =	vmax.f32 v23, v35  }
0xd3: {  	v25 =	vsel vm0, v34, v25;
	vm0 =	vgt.f32 v37, v23;
	v23 =	vmax.f32 v23, v37  }
0xd4: {  	v25 =	vsel vm0, v36, v25;
	vm0 =	vgt.f32 v26, v23;
	v26 =	vmax.f32 v23, v26;
	v23 =	vld [tilespmem:s29+$0x20]  }
0xd5: {  	v25 =	vsel vm0, v30, v25;
	vm0 =	vgt.f32 v24, v26;
	v26 =	vmax.f32 v26, v24;
	v24 =	vld [tilespmem:s29+$0x30];
	s29 =	sadd.s32 $0x400, s29  }
0xd6: {  	s25 =	sor.u32 s25, s26  }
0xd7: {  	s26 =	sor.u32 $0x1C00, s25  }
0xd8: {  	v28 =	vor.u32 $0x50, v21;
	v27 =	vld [tilespmem:s26+$0x4000]  }
0xd9: {  	v29 =	vor.u32 $0x60, v21;
	v21 =	vor.u32 $0x70, v21;
	v22 =	vadd.s32 $0x80, v22;
	s31 =	sor.u32 $0x1C10, s25  }
0xda: {  	v62 =	vadd.s32 s24, v3;
	v25 =	vsel vm0, v28, v25;
	s28 =	sor.u32 $0x1C20, s25;
	v57 =	vor.u32 $0x10, v22;
	v53 =	vld [tilespmem:s31+$0x4000]  }
0xdb: {  	s29 =	sor.u32 $0x1C30, s25;
	v58 =	vor.u32 $0x20, v22;
	v54 =	vld [tilespmem:s28+$0x4000];
	vm7 =	vgt.f32 v23, v26;
	v23 =	vmax.f32 v26, v23  }
0xdc: {  	s30 =	sor.u32 $0x1C40, s25;
	v55 =	vld [tilespmem:s29+$0x4000];
	v25 =	vsel vm7, v29, v25;
	vm8 =	vgt.f32 v24, v23;
	v23 =	vmax.f32 v23, v24  }
0xdd: {  	v60 =	vor.u32 $0x30, v22;
	v56 =	vld [tilespmem:s30+$0x4000];
	s31 =	sor.u32 $0x1C50, s25;
	v21 =	vsel vm8, v21, v25;
	vm9 =	vgt.f32 v27, v23  }
0xde: {  	v63 =	vor.u32 $0x40, v22;
	s25 =	sor.u32 $0x1C58, s25;
	v59 =	vld [tilespmem:s31+$0x4000];
	v23 =	vmax.f32 v23, v27;
	v21 =	vsel vm9, v22, v21  }
0xdf: {  	v61 =	vld [tilespmem:s25+$0x4000];
	vm10 =	vgt.f32 v53, v23;
	v23 =	vmax.f32 v23, v53;
	v22 =	vor.u32 $0x50, v22  }
0xe0: {  	s24 =	sadd.s32 $0x1, s24;
	v21 =	vsel vm10, v57, v21;
	vm11 =	vgt.f32 v54, v23;
	v23 =	vmax.f32 v23, v54  }
0xe1: {  	p2 =	sne.s32 s24, $0x10;
	v21 =	vsel vm11, v58, v21;
	vm12 =	vgt.f32 v55, v23;
	v23 =	vmax.f32 v23, v55  }
.Ltmp6:
0xe2: {  	v21 =	vsel vm12, v60, v21;
	vm13 =	vgt.f32 v56, v23;
	v23 =	vmax.f32 v23, v56;
	(pc) =	sbr.rel @p2 .LBB2_13-.Ltmp6, $4  }
0xe3: {  	v21 =	vsel vm13, v63, v21;
	vm14 =	vgt.f32 v59, v23;
	v23 =	vmax.f32 v23, v59  }
0xe4: {  	v21 =	vsel vm14, v22, v21;
	vm15 =	vgt.f32 v61, v23;
	v22 =	vmax.f32 v23, v61  }
0xe5: {  	v21 =	vsel vm15, $0x3D8, v21;
	[tilespmem:v62+s12+$0x0] =	vst.idx.msk $0xffff, v22  }
0xe6: {  	s23 =	sadd.s32 $0x400, s23;
	s22 =	sadd.s32 $0x1, s22;
	[tilespmem:v62+s13+$0x0] =	vst.idx.msk $0xffff, v21  }
0xe7: {  	_ =	sdelay $0x3  }
0xe8: {  	v47 =	vld.idx.msk [tilespmem:v2+s12+$0x0], $0xffff  }
0xe9: {  	v45 =	vld.idx.msk [tilespmem:v4+s12+$0x0], $0xffff  }
0xea: {  	v44 =	vld.idx.msk [tilespmem:v5+s12+$0x0], $0xffff  }
0xeb: {  	v42 =	vld.idx.msk [tilespmem:v6+s12+$0x0], $0xffff  }
0xec: {  	v40 =	vld.idx.msk [tilespmem:v7+s12+$0x0], $0xffff  }
0xed: {  	v38 =	vld.idx.msk [tilespmem:v8+s12+$0x0], $0xffff  }
0xee: {  	v36 =	vld.idx.msk [tilespmem:v9+s12+$0x0], $0xffff  }
0xef: {  	v34 =	vld.idx.msk [tilespmem:v10+s12+$0x0], $0xffff;
	v53 =	vmax.f32 v47, v45  }
0xf0: {  	v32 =	vld.idx.msk [tilespmem:v11+s12+$0x0], $0xffff;
	v53 =	vmax.f32 v53, v44  }
0xf1: {  	v30 =	vld.idx.msk [tilespmem:v12+s12+$0x0], $0xffff;
	v53 =	vmax.f32 v53, v42  }
0xf2: {  	v28 =	vld.idx.msk [tilespmem:v13+s12+$0x0], $0xffff;
	v53 =	vmax.f32 v53, v40  }
0xf3: {  	v26 =	vld.idx.msk [tilespmem:v14+s12+$0x0], $0xffff;
	v53 =	vmax.f32 v53, v38  }
0xf4: {  	v24 =	vld.idx.msk [tilespmem:v15+s12+$0x0], $0xffff;
	v53 =	vmax.f32 v53, v36  }
0xf5: {  	v23 =	vld.idx.msk [tilespmem:v16+s12+$0x0], $0xffff;
	v53 =	vmax.f32 v53, v34  }
0xf6: {  	v22 =	vld.idx.msk [tilespmem:v17+s12+$0x0], $0xffff;
	v53 =	vmax.f32 v53, v32  }
0xf7: {  	v21 =	vld.idx.msk [tilespmem:v18+s12+$0x0], $0xffff;
	v53 =	vmax.f32 v53, v30  }
0xf8: {  	v52 =	vld.idx.msk [tilespmem:v2+s13+$0x0], $0xffff;
	v53 =	vmax.f32 v53, v28  }
0xf9: {  	v53 =	vmax.f32 v53, v26  }
0xfa: {  	v51 =	vld.idx.msk [tilespmem:v4+s13+$0x0], $0xffff;
	v53 =	vmax.f32 v53, v24  }
0xfb: {  	v50 =	vld.idx.msk [tilespmem:v5+s13+$0x0], $0xffff;
	v53 =	vmax.f32 v53, v23  }
0xfc: {  	v53 =	vmax.f32 v53, v22  }
0xfd: {  	vm0 =	vlt.s32 v52, $0x40000000;
	v53 =	vmax.f32 v53, v21  }
0xfe: {  	v49 =	vld.idx.msk [tilespmem:v6+s13+$0x0], $0xffff;
	v62 =	vnsel vm0, $0x40000000, v52;
	vm1 =	veq.f32 v47, v53  }
0xff: {  	v51 =	vadd.s32 $0x1, v51;
	v47 =	vnsel vm1, $0x40000000, v62  }
0x100: {  	v48 =	vld.idx.msk [tilespmem:v7+s13+$0x0], $0xffff;
	v50 =	vadd.s32 $0x2, v50;
	vm1 =	vlt.s32 v47, v51  }
0x101: {  	vm13 =	veq.f32 v45, v53;
	vm14 =	veq.f32 v44, v53;
	v63 =	vsel vm1, v47, v51  }
0x102: {  	v46 =	vld.idx.msk [tilespmem:v8+s13+$0x0], $0xffff;
	v44 =	vnsel vm14, $0x40000000, v50;
	v45 =	vsel vm13, v63, v47  }
0x103: {  	vm15 =	veq.f32 v42, v53;
	v51 =	vadd.s32 $0x3, v49;
	vm0 =	vlt.s32 v45, v44  }
0x104: {  	v43 =	vld.idx.msk [tilespmem:v9+s13+$0x0], $0xffff;
	v42 =	vnsel vm15, $0x40000000, v51;
	v44 =	vsel vm0, v45, v44  }
0x105: {  	v52 =	vadd.s32 $0x4, v48;
	vm4 =	veq.f32 v40, v53;
	vm0 =	vlt.s32 v44, v42  }
0x106: {  	v41 =	vld.idx.msk [tilespmem:v10+s13+$0x0], $0xffff;
	v40 =	vnsel vm4, $0x40000000, v52;
	v42 =	vsel vm0, v44, v42  }
0x107: {  	v54 =	vadd.s32 $0x5, v46;
	vm5 =	veq.f32 v38, v53;
	vm0 =	vlt.s32 v42, v40  }
0x108: {  	v39 =	vld.idx.msk [tilespmem:v11+s13+$0x0], $0xffff;
	v38 =	vnsel vm5, $0x40000000, v54;
	v40 =	vsel vm0, v42, v40  }
0x109: {  	v55 =	vadd.s32 $0x6, v43;
	vm6 =	veq.f32 v36, v53;
	vm0 =	vlt.s32 v40, v38  }
0x10a: {  	v37 =	vld.idx.msk [tilespmem:v12+s13+$0x0], $0xffff;
	v36 =	vnsel vm6, $0x40000000, v55;
	v38 =	vsel vm0, v40, v38  }
0x10b: {  	v56 =	vadd.s32 $0x7, v41;
	vm7 =	veq.f32 v34, v53;
	vm0 =	vlt.s32 v38, v36  }
0x10c: {  	v35 =	vld.idx.msk [tilespmem:v13+s13+$0x0], $0xffff;
	v34 =	vnsel vm7, $0x40000000, v56;
	v36 =	vsel vm0, v38, v36  }
0x10d: {  	v57 =	vadd.s32 $0x8, v39;
	vm8 =	veq.f32 v32, v53;
	vm0 =	vlt.s32 v36, v34  }
0x10e: {  	v33 =	vld.idx.msk [tilespmem:v14+s13+$0x0], $0xffff;
	v32 =	vnsel vm8, $0x40000000, v57;
	v34 =	vsel vm0, v36, v34  }
0x10f: {  	v58 =	vadd.s32 $0x9, v37;
	vm9 =	veq.f32 v30, v53;
	vm0 =	vlt.s32 v34, v32  }
0x110: {  	v31 =	vld.idx.msk [tilespmem:v15+s13+$0x0], $0xffff;
	v30 =	vnsel vm9, $0x40000000, v58;
	v32 =	vsel vm0, v34, v32  }
0x111: {  	v59 =	vadd.s32 $0xA, v35;
	vm10 =	veq.f32 v28, v53;
	vm0 =	vlt.s32 v32, v30  }
0x112: {  	v29 =	vld.idx.msk [tilespmem:v16+s13+$0x0], $0xffff;
	v28 =	vnsel vm10, $0x40000000, v59;
	v30 =	vsel vm0, v32, v30  }
0x113: {  	v60 =	vadd.s32 $0xB, v33;
	vm11 =	veq.f32 v26, v53;
	vm0 =	vlt.s32 v30, v28  }
0x114: {  	v27 =	vld.idx.msk [tilespmem:v17+s13+$0x0], $0xffff;
	s22 =	sadd.s32 @!p0 s21, s7;
	s23 =	simm.s32 @!p0 $0x0;
	s24 =	simm.s32 @!p0 $0x4000;
	v26 =	vnsel vm11, $0x40000000, v60;
	v28 =	vsel vm0, v30, v28  }
0x115: {  	v25 =	vld.idx.msk [tilespmem:v18+s13+$0x0], $0xffff;
	[tilespmem:s24], [sflag:$0x2] =	stream.linear.gather @!p0 [hbm4b:s22+s23], $0x4000, $0x38;
	v61 =	vadd.s32 $0xC, v31;
	vm12 =	veq.f32 v24, v53;
	vm0 =	vlt.s32 v28, v26  }
0x116: {  	_ =	swait.ge @p1 [sflag:s18], $0x4000;
	v24 =	vnsel vm12, $0x40000000, v61;
	v26 =	vsel vm0, v28, v26  }
0x117: {  	[sflag:s18] =	ssyncset.done @p1 $0x0;
	vm13 =	veq.f32 v23, v53;
	v23 =	vadd.s32 $0xD, v29;
	vm0 =	vlt.s32 v26, v24  }
0x118: {  	[sflag:s18] =	ssyncadd.s32 @p1 $0xFFFFC000;
	v23 =	vnsel vm13, $0x40000000, v23;
	v24 =	vsel vm0, v26, v24  }
0x119: {  	vm14 =	veq.f32 v22, v53;
	v22 =	vadd.s32 $0xE, v27;
	v62 =	vld [tilespmem:$0x10380];
	vm0 =	vlt.s32 v24, v23  }
0x11a: {  	v22 =	vnsel vm14, $0x40000000, v22;
	v23 =	vsel vm0, v24, v23  }
0x11b: {  	vm15 =	veq.f32 v21, v53;
	v21 =	vadd.s32 $0xF, v25;
	vm0 =	vlt.s32 v23, v22  }
0x11c: {  	v21 =	vnsel vm15, $0x40000000, v21;
	v22 =	vsel vm0, v23, v22  }
0x11d: {  	vm0 =	vlt.s32 v22, v21  }
0x11e: {  	v21 =	vsel vm0, v22, v21;
	v22 =	vshll.u32 v62, $0x3  }
0x11f: {  	v23 =	vand.u32 $0x7F, v62;
	v22 =	vand.u32 $0xFFFFFC00, v22;
	v63 =	vshll.u32 v21, $0x3  }
0x120: {  	v22 =	vor.u32 v23, v22;
	v23 =	vand.u32 $0x7F, v21;
	v24 =	vand.u32 $0xFFFFFC00, v63  }
0x121: {  	v22 =	vadd.s32 v19, v22;
	v23 =	vor.u32 v23, v24  }
0x122: {  	v23 =	vadd.s32 v19, v23  }
0x123: {  	s20 =	sadd.s32 $0x1, s20  }
0x124: {  	p0 =	sne.s32 s20, $0x10  }
.Ltmp7:
0x125: {  	_ = 	snop;
	(pc) =	sbr.rel @p0 .LBB2_6-.Ltmp7, $4  }
0x126: {  	[tilespmem:v22+s16+$0x0] =	vst.idx.msk $0xffff, v0  }
0x127: {  	[tilespmem:v23+s16+$0x0] =	vst.idx.msk $0xffff, v20  }
0x128: {  	s31 =	sadd.s32 s9, s21;
	[tilespmem:$0x10380] =	vst v21  }
0x129: {  	[hbm4b:s31+s2] =	stream.linear.scatter [tilespmem:s16], [sflag:$0x4], $0x4000, $0x38;
	[tilespmem:$0x10400] =	vst v63  }
0x12a: {  	s19 =	sadd.s32 $0x1, s19  }
0x12b: {  	_ =	swait.ge [sflag:s17], $0x4000;
	p0 =	sne.s32 s19, s8  }
.Ltmp8:
0x12c: {  	[sflag:s17] =	ssyncset.done $0x0;
	(pc) =	sbr.rel @p0 .LBB2_1-.Ltmp8, $4  }
0x12d: {  	[sflag:s17] =	ssyncadd.s32 $0xFFFFC000  }
0x12e: {  	_ =	swait.ge [sflag:s18], $0x4000  }
0x12f: {  	[sflag:s18] =	ssyncset.done $0x0  }
0x130: {  	[sflag:s18] =	ssyncadd.s32 $0xFFFFC000  }
0x131: {  	_ =	sfence.sel $0x180000  }
0x132: {  	[bflag:$0x0] =	sbarrier.arrive $0xFFFF  }
0x133: {  	p0 =	sne.s32 s1, $0x0;
	_ =	strace $0x90000047  }
0x134: {  	s0 =	sadd.s32 @!p0 $0x100000, s0;
	[bflag:$0x2] =	sbarrier.arrive $0xFFFF  }
0x135: {  	[sflag:s0] =	ssyncadd.tile.s32 @!p0 $0x1;
	_ =	shalt  }
.Lfunc_end2:
_tile_overlayer_lowered:
.L_overlay_start_2:
0x136: {  	(tag) =	ssettag $0x2  }
0x137: {  	s0 =	rddreg [dreg:$0x0];
	s2 =	stileid.u32  }
0x138: {  	s1 =	rddreg [dreg:$0x1];
	p0 =	sne.s32 s2, $0x0  }
0x139: {  	s3 =	rddreg [dreg:$0x2];
	[bflag:$0x3] =	sbarrier.arrive $0xFFFF;
	s2 =	simm.s32 @!p0 $0x1C05  }
0x13a: {  	[timem:s3], [sflag:s2] =	dma.local @!p0 [hbm:s0], s1  }
0x13b: {  	s0 =	simm.s32 @!p0 $0x5  }
0x13c: {  	_ =	swait.ge @!p0 [sflag:s0], s1  }
0x13d: {  	s1 =	ssub.s32 @!p0 $0x0, s1;
	[sflag:s0] =	ssyncset.done @!p0 $0x0  }
0x13e: {  	[sflag:s0] =	ssyncadd.s32 @!p0 s1  }
0x13f: {  	[bflag:$0x3] =	sbarrier.arrive $0xFFFF  }
0x140: {  	_ =	shalt  }

</sc_bundles>
